<compile_context>
chip_gen: v7x
topology: tpu7x:2x2x1
jax: 0.10.2.dev20260603
libtpu: 0.0.44.dev20260713+nightly
codegen_flags: <defaults>
</compile_context>

<pallas_src>
import functools

import jax
import jax.numpy as jnp
from jax import lax
from jax.experimental import pallas as pl
from jax.experimental.pallas import tpu as pltpu
from jax.experimental.pallas import tpu_sc as plsc

_N = 10000
_E = 320000
_D = 64
_B = 4
_T = 16
_BN = _B * _N
_BLK = 2000
_NW = 32
_CH = _E // _NW



_sc_mesh = plsc.VectorSubcoreMesh(core_axis_name="c", subcore_axis_name="s")


@functools.partial(
    pl.kernel,
    mesh=_sc_mesh,
    compiler_params=pltpu.CompilerParams(needs_layout_passes=False),
    out_type=jax.ShapeDtypeStruct((2, _B, _N), jnp.float32),
    scratch_types=[
        pltpu.VMEM((_BN,), jnp.float32),
        pltpu.VMEM((_CH,), jnp.int32),
        pltpu.VMEM((_CH,), jnp.int32),
        pltpu.VMEM((_CH,), jnp.float32),
        pltpu.VMEM((_CH,), jnp.float32),
        pltpu.VMEM((_CH,), jnp.float32),
        pltpu.VMEM_SHARED((_N,), jnp.float32),
        pltpu.VMEM_SHARED((_N,), jnp.float32),
        pltpu.VMEM_SHARED((_N,), jnp.float32),
        pltpu.VMEM_SHARED((_N,), jnp.float32),
        pltpu.SemaphoreType.DMA,
    ],
)
def _sc_msg(vn_hbm, src_hbm, dst_hbm, w_hbm, out_hbm,
            vn_v, src_v, dst_v, w_v, prod_a, prod_b, m0, m1, m2, m3, sem):
    cid = lax.axis_index("c")
    sid = lax.axis_index("s")
    gwid = cid * 16 + sid
    msgs = [m0, m1, m2, m3]

    c_vn = pltpu.async_copy(vn_hbm, vn_v, sem)
    c_src = pltpu.async_copy(src_hbm.at[gwid], src_v, sem)
    c_dst = pltpu.async_copy(dst_hbm.at[gwid], dst_v, sem)
    c_w = pltpu.async_copy(w_hbm.at[gwid], w_v, sem)

    @pl.when(sid < _B)
    def _zero():
        @plsc.parallel_loop(0, _N, 16, unroll=4)
        def _zbody(i):
            prod_b[pl.ds(i, 16)] = jnp.zeros((16,), jnp.float32)
        for b in range(_B):
            @pl.when(sid == b)
            def _cp(b=b):
                pltpu.sync_copy(prod_b, msgs[b])

    c_vn.wait()
    c_src.wait()
    c_dst.wait()
    c_w.wait()

    plsc.subcore_barrier()

    prods = [prod_a, prod_b]
    copies = [None] * _B
    for b in range(_B):
        boff = jnp.full((16,), b * _N, jnp.int32)
        pv = prods[b % 2]
        if b >= 2:
            copies[b - 2].wait()

        @plsc.parallel_loop(0, _CH, 16, unroll=4)
        def _gbody(i, boff=boff, pv=pv):
            s16 = src_v[pl.ds(i, 16)]
            vals = plsc.load_gather(vn_v, [s16 + boff])
            w16 = w_v[pl.ds(i, 16)]
            pv[pl.ds(i, 16)] = vals * w16
        copies[b] = pltpu.async_copy(pv, msgs[b].at[dst_v], sem, add=True)

    copies[_B - 2].wait()
    copies[_B - 1].wait()
    plsc.subcore_barrier()

    @pl.when(sid < _B)
    def _writeout():
        for b in range(_B):
            @pl.when(sid == b)
            def _cp(b=b):
                pltpu.sync_copy(msgs[b], out_hbm.at[cid, b])



def _dense_body(h_ref, s_ref, wh_ref, w4_ref, wo_ref, hn_ref, v_ref, vn_ref):
    s = s_ref[...]
    msgb = s[:, 0:1] + s[:, 1:2]
    xb = s[:, 2:3]
    pre = msgb * w4_ref[0:1, :] + xb * w4_ref[2:3, :]
    pre = pre + jnp.dot(h_ref[...], wh_ref[...], preferred_element_type=jnp.float32)
    pre = pre + w4_ref[3:4, :]
    hn = jnp.tanh(pre)
    hn_ref[...] = hn
    vq = jnp.dot(hn, wo_ref[...].T, preferred_element_type=jnp.float32)
    v = jnp.clip(vq * 75.0 - 25.0, -100.0, 50.0)
    v_ref[...] = v
    vn_ref[...] = (v + 25.0) / 75.0


_dense_step = pl.pallas_call(
    _dense_body,
    grid=(_BN // _BLK,),
    in_specs=[
        pl.BlockSpec((_BLK, _D), lambda i: (i, 0)),
        pl.BlockSpec((_BLK, 4), lambda i: (i, 0)),
        pl.BlockSpec((_D, _D), lambda i: (0, 0)),
        pl.BlockSpec((4, _D), lambda i: (0, 0)),
        pl.BlockSpec((8, _D), lambda i: (0, 0)),
    ],
    out_specs=[
        pl.BlockSpec((_BLK, _D), lambda i: (i, 0)),
        pl.BlockSpec((_BLK, 8), lambda i: (i, 0)),
        pl.BlockSpec((_BLK, 8), lambda i: (i, 0)),
    ],
    out_shape=[
        jax.ShapeDtypeStruct((_BN, _D), jnp.float32),
        jax.ShapeDtypeStruct((_BN, 8), jnp.float32),
        jax.ShapeDtypeStruct((_BN, 8), jnp.float32),
    ],
)


def kernel(input_traces, edge_index, meta_weight, w_msg, w_inp, W_h, b, w_out):
    src2 = edge_index[0].reshape(_NW, _CH)
    dst2 = edge_index[1].reshape(_NW, _CH)
    w2 = meta_weight.reshape(_NW, _CH)

    w4 = jnp.stack([w_msg, w_msg, w_inp, b], axis=0)
    wo = jnp.zeros((8, _D), jnp.float32).at[0, :].set(w_out)

    xs = jnp.moveaxis((input_traces + 25.0) / 75.0, -1, 0).reshape(_T, _BN)

    h0 = jnp.zeros((_BN, _D), jnp.float32)
    vn0 = jnp.full((_BN,), (-65.0 + 25.0) / 75.0, jnp.float32)
    ones = jnp.ones((_BN,), jnp.float32)

    def step(carry, x_t):
        h, vn = carry
        mp = _sc_msg(vn, src2, dst2, w2)
        s = jnp.stack(
            [mp[0].reshape(_BN), mp[1].reshape(_BN), x_t, ones], axis=1)
        hn, v8, vn8 = _dense_step(h, s, W_h, w4, wo)
        return (hn, vn8[:, 0]), v8[:, 0]

    (_, _), vs = jax.lax.scan(step, (h0, vn0), xs)
    return jnp.moveaxis(vs.reshape(_T, _B, _N), 0, -1)

# --- scband reference (transcript-rebuilt; emitter-appended) ---
"""Pipeline reference for scband-artificial-circuit-29300266893516 (READ-ONLY COPY).

The authoritative reference and input builder live on the scoring server;
editing this copy changes nothing except your own understanding.
"""

import jax, jax.numpy as jnp
import numpy as np

N = 10000
E = 320000
D = 64
B = 4
T = 16

def setup_inputs(seed: int = 0):
    key = jax.random.key(seed)
    ks = jax.random.split(key, 8)
    input_traces = jax.random.normal(ks[0], (B, N, T), dtype=jnp.float32)
    edge_index = jax.random.randint(ks[1], (2, E), 0, N, dtype=jnp.int32)
    meta_weight = jax.random.normal(ks[2], (E,), dtype=jnp.float32) * 0.1
    w_msg = jax.random.normal(ks[3], (D,), dtype=jnp.float32) * 0.5
    w_inp = jax.random.normal(ks[4], (D,), dtype=jnp.float32) * 0.5
    W_h = jax.random.normal(ks[5], (D, D), dtype=jnp.float32) * (1.0 / np.sqrt(D))
    b = jnp.zeros((D,), dtype=jnp.float32)
    w_out = jax.random.normal(ks[6], (D,), dtype=jnp.float32) * (1.0 / np.sqrt(D))
    return {"input_traces": input_traces, "edge_index": edge_index, "meta_weight": meta_weight,
            "w_msg": w_msg, "w_inp": w_inp, "W_h": W_h, "b": b, "w_out": w_out}

def reference(input_traces, edge_index, meta_weight, w_msg, w_inp, W_h, b, w_out):
    # Vectorized translation of ArtificialCircuit.forward: each cell gathers the
    # previous-step voltages of its pre-connections (gather over edge_index[0]),
    # weights them by per-connection meta weights, aggregates onto the post cell
    # (scatter-add over edge_index[1]), normalizes by (v+25)/75 as in mini_forward,
    # runs a recurrent per-cell model, rescales v*75-25, and clamps to [-100, 50].
    src = edge_index[0]
    dst = edge_index[1]
    Bv, Nv, Tv = input_traces.shape
    Dv = W_h.shape[0]
    v0 = jnp.full((Bv, Nv), -65.0, dtype=jnp.float32)
    h0 = jnp.zeros((Bv, Nv, Dv), dtype=jnp.float32)
    xs = jnp.moveaxis((input_traces + 25.0) / 75.0, -1, 0)  # [T, B, N]

    def step(carry, inp_t):
        v, h = carry
        v_norm = (v + 25.0) / 75.0
        msg_e = v_norm[:, src] * meta_weight[None, :]            # gather: [B, E]
        msg = jax.ops.segment_sum(msg_e.T, dst, num_segments=Nv).T  # scatter-add: [B, N]
        pre = (msg[..., None] * w_msg[None, None, :]
               + inp_t[..., None] * w_inp[None, None, :]
               + jnp.einsum('bnd,de->bne', h, W_h)
               + b)
        h_new = jnp.tanh(pre)
        v_new = h_new @ w_out * 75.0 - 25.0
        v_new = jnp.clip(v_new, -100.0, 50.0)
        return (v_new, h_new), v_new

    (vT, hT), vs = jax.lax.scan(step, (v0, h0), xs)
    output_traces = jnp.moveaxis(vs, 0, -1)  # [B, N, T]
    return output_traces

if __name__ == "__main__":
    import jax
    _d = setup_inputs()
    print(jax.jit(kernel)(*tuple(_d.values())))

</pallas_src>

<mosaic_0001>
#map = affine_map<(d0, d1) -> (0)>
#map1 = affine_map<(d0, d1) -> (0, 0)>
#map2 = affine_map<(d0, d1) -> (0, 0, 0)>
module attributes {stable_mosaic.version = 14 : i64} {
  func.func @_sc_msg(%arg0: i32, %arg1: i32, %arg2: memref<40000xf32, #tpu.memory_space<hbm>>, %arg3: memref<32x10000xi32, #tpu.memory_space<hbm>>, %arg4: memref<32x10000xi32, #tpu.memory_space<hbm>>, %arg5: memref<32x10000xf32, #tpu.memory_space<hbm>>, %arg6: memref<2x4x10000xf32, #tpu.memory_space<hbm>>, %arg7: memref<40000xf32, #tpu.memory_space<vmem>>, %arg8: memref<10000xi32, #tpu.memory_space<vmem>>, %arg9: memref<10000xi32, #tpu.memory_space<vmem>>, %arg10: memref<10000xf32, #tpu.memory_space<vmem>>, %arg11: memref<10000xf32, #tpu.memory_space<vmem>>, %arg12: memref<10000xf32, #tpu.memory_space<vmem>>, %arg13: memref<10000xf32, #tpu.memory_space<vmem_shared>>, %arg14: memref<10000xf32, #tpu.memory_space<vmem_shared>>, %arg15: memref<10000xf32, #tpu.memory_space<vmem_shared>>, %arg16: memref<10000xf32, #tpu.memory_space<vmem_shared>>, %arg17: memref<!tpu.dma_semaphore, #tpu.memory_space<semaphore_mem>>) attributes {dimension_semantics = [#tpu.dimension_semantics<core_parallel>, #tpu.dimension_semantics<subcore_parallel>], iteration_bounds = array<i64: 2, 16>, scalar_prefetch = 0 : i64, scratch_operands = 11 : i64, tpu.core_type = #tpu.core_type<sc_vector_subcore>, window_params = [{transform_indices = #map}, {transform_indices = #map1}, {transform_indices = #map1}, {transform_indices = #map1}, {transform_indices = #map2}]} {
    %mul3A = arith.constant 16 : i32
    %mul3A_0 = arith.muli %arg0, %mul3A : i32
    %add3A = arith.addi %mul3A_0, %arg1 : i32
    tpu.enqueue_dma source(%arg2 : memref<40000xf32, #tpu.memory_space<hbm>>) target(%arg7 : memref<40000xf32, #tpu.memory_space<vmem>>) target_semaphore(%arg17 : memref<!tpu.dma_semaphore, #tpu.memory_space<semaphore_mem>>)
    %dma_start3A = arith.constant 0 : i32
    %dma_start3A_1 = tpu.memref_slice %arg3[%add3A, %dma_start3A] : memref<32x10000xi32, #tpu.memory_space<hbm>> -> memref<1x10000xi32, #tpu.memory_space<hbm>>
    %dma_start3A_2 = tpu.memref_squeeze %dma_start3A_1 : memref<1x10000xi32, #tpu.memory_space<hbm>> -> memref<10000xi32, #tpu.memory_space<hbm>>
    %dma_start3A_3 = arith.constant 0 : i32
    %dma_start3A_4 = tpu.memref_slice %arg3[%add3A, %dma_start3A_3] : memref<32x10000xi32, #tpu.memory_space<hbm>> -> memref<1x10000xi32, #tpu.memory_space<hbm>>
    %dma_start3A_5 = tpu.memref_squeeze %dma_start3A_4 : memref<1x10000xi32, #tpu.memory_space<hbm>> -> memref<10000xi32, #tpu.memory_space<hbm>>
    tpu.enqueue_dma source(%dma_start3A_5 : memref<10000xi32, #tpu.memory_space<hbm>>) target(%arg8 : memref<10000xi32, #tpu.memory_space<vmem>>) target_semaphore(%arg17 : memref<!tpu.dma_semaphore, #tpu.memory_space<semaphore_mem>>)
    %dma_start3A_6 = arith.constant 0 : i32
    %dma_start3A_7 = tpu.memref_slice %arg4[%add3A, %dma_start3A_6] : memref<32x10000xi32, #tpu.memory_space<hbm>> -> memref<1x10000xi32, #tpu.memory_space<hbm>>
    %dma_start3A_8 = tpu.memref_squeeze %dma_start3A_7 : memref<1x10000xi32, #tpu.memory_space<hbm>> -> memref<10000xi32, #tpu.memory_space<hbm>>
    %dma_start3A_9 = arith.constant 0 : i32
    %dma_start3A_10 = tpu.memref_slice %arg4[%add3A, %dma_start3A_9] : memref<32x10000xi32, #tpu.memory_space<hbm>> -> memref<1x10000xi32, #tpu.memory_space<hbm>>
    %dma_start3A_11 = tpu.memref_squeeze %dma_start3A_10 : memref<1x10000xi32, #tpu.memory_space<hbm>> -> memref<10000xi32, #tpu.memory_space<hbm>>
    tpu.enqueue_dma source(%dma_start3A_11 : memref<10000xi32, #tpu.memory_space<hbm>>) target(%arg9 : memref<10000xi32, #tpu.memory_space<vmem>>) target_semaphore(%arg17 : memref<!tpu.dma_semaphore, #tpu.memory_space<semaphore_mem>>)
    %dma_start3A_12 = arith.constant 0 : i32
    %dma_start3A_13 = tpu.memref_slice %arg5[%add3A, %dma_start3A_12] : memref<32x10000xf32, #tpu.memory_space<hbm>> -> memref<1x10000xf32, #tpu.memory_space<hbm>>
    %dma_start3A_14 = tpu.memref_squeeze %dma_start3A_13 : memref<1x10000xf32, #tpu.memory_space<hbm>> -> memref<10000xf32, #tpu.memory_space<hbm>>
    %dma_start3A_15 = arith.constant 0 : i32
    %dma_start3A_16 = tpu.memref_slice %arg5[%add3A, %dma_start3A_15] : memref<32x10000xf32, #tpu.memory_space<hbm>> -> memref<1x10000xf32, #tpu.memory_space<hbm>>
    %dma_start3A_17 = tpu.memref_squeeze %dma_start3A_16 : memref<1x10000xf32, #tpu.memory_space<hbm>> -> memref<10000xf32, #tpu.memory_space<hbm>>
    tpu.enqueue_dma source(%dma_start3A_17 : memref<10000xf32, #tpu.memory_space<hbm>>) target(%arg10 : memref<10000xf32, #tpu.memory_space<vmem>>) target_semaphore(%arg17 : memref<!tpu.dma_semaphore, #tpu.memory_space<semaphore_mem>>)
    %lt3A = arith.constant 4 : i32
    %lt3A_18 = arith.cmpi slt, %arg1, %lt3A : i32
    %convert_element_type3A = arith.extui %lt3A_18 : i1 to i32
    %cond3A = arith.constant 0 : i32
    %cond3A_19 = arith.cmpi ne, %convert_element_type3A, %cond3A : i32
    scf.if %cond3A_19 {
      %parallel_loop3A_77 = arith.constant 0 : i32
      %parallel_loop3A_78 = arith.constant 10000 : i32
      %parallel_loop3A_79 = arith.constant 16 : i32
      scf.for %parallel_loop3A_99 = %parallel_loop3A_77 to %parallel_loop3A_78 step %parallel_loop3A_79  : i32 {
        %parallel_loop3A_100 = arith.constant 0.000000e+00 : f32
        %parallel_loop3A_101 = vector.broadcast %parallel_loop3A_100 : f32 to vector<16xf32>
        %parallel_loop3A_102 = arith.index_cast %parallel_loop3A_99 : i32 to index
        %parallel_loop3A_103 = tpu.vector_load %arg12[%parallel_loop3A_102] {strides = array<i32>} : memref<10000xf32, #tpu.memory_space<vmem>>, vector<16xf32>,
        tpu.vector_store %arg12[%parallel_loop3A_102], %parallel_loop3A_101 {strides = array<i32>} : memref<10000xf32, #tpu.memory_space<vmem>>, vector<16xf32>,
      } {sc.loop_unroll_factor = 4 : i64, sc.parallel_access}
      %eq3A = arith.constant 0 : i32
      %eq3A_80 = arith.cmpi eq, %arg1, %eq3A : i32
      %convert_element_type3A_81 = arith.extui %eq3A_80 : i1 to i32
      %cond3A_82 = arith.constant 0 : i32
      %cond3A_83 = arith.cmpi ne, %convert_element_type3A_81, %cond3A_82 : i32
      scf.if %cond3A_83 {
        "tpu.region"() ({
          %run_scoped3A = tpu.sem_alloc : memref<!tpu.dma_semaphore, #tpu.memory_space<semaphore_mem>>
          tpu.enqueue_dma source(%arg12 : memref<10000xf32, #tpu.memory_space<vmem>>) target(%arg13 : memref<10000xf32, #tpu.memory_space<vmem_shared>>) target_semaphore(%run_scoped3A : memref<!tpu.dma_semaphore, #tpu.memory_space<semaphore_mem>>)
          tpu.wait_dma2 semaphore(%run_scoped3A : memref<!tpu.dma_semaphore, #tpu.memory_space<semaphore_mem>>) src(%arg12 : memref<10000xf32, #tpu.memory_space<vmem>>) dst(%arg13 : memref<10000xf32, #tpu.memory_space<vmem_shared>>)
          tpu.yield
        }) : () -> ()
      } else {
      }
      %eq3A_84 = arith.constant 1 : i32
      %eq3A_85 = arith.cmpi eq, %arg1, %eq3A_84 : i32
      %convert_element_type3A_86 = arith.extui %eq3A_85 : i1 to i32
      %cond3A_87 = arith.constant 0 : i32
      %cond3A_88 = arith.cmpi ne, %convert_element_type3A_86, %cond3A_87 : i32
      scf.if %cond3A_88 {
        "tpu.region"() ({
          %run_scoped3A = tpu.sem_alloc : memref<!tpu.dma_semaphore, #tpu.memory_space<semaphore_mem>>
          tpu.enqueue_dma source(%arg12 : memref<10000xf32, #tpu.memory_space<vmem>>) target(%arg14 : memref<10000xf32, #tpu.memory_space<vmem_shared>>) target_semaphore(%run_scoped3A : memref<!tpu.dma_semaphore, #tpu.memory_space<semaphore_mem>>)
          tpu.wait_dma2 semaphore(%run_scoped3A : memref<!tpu.dma_semaphore, #tpu.memory_space<semaphore_mem>>) src(%arg12 : memref<10000xf32, #tpu.memory_space<vmem>>) dst(%arg14 : memref<10000xf32, #tpu.memory_space<vmem_shared>>)
          tpu.yield
        }) : () -> ()
      } else {
      }
      %eq3A_89 = arith.constant 2 : i32
      %eq3A_90 = arith.cmpi eq, %arg1, %eq3A_89 : i32
      %convert_element_type3A_91 = arith.extui %eq3A_90 : i1 to i32
      %cond3A_92 = arith.constant 0 : i32
      %cond3A_93 = arith.cmpi ne, %convert_element_type3A_91, %cond3A_92 : i32
      scf.if %cond3A_93 {
        "tpu.region"() ({
          %run_scoped3A = tpu.sem_alloc : memref<!tpu.dma_semaphore, #tpu.memory_space<semaphore_mem>>
          tpu.enqueue_dma source(%arg12 : memref<10000xf32, #tpu.memory_space<vmem>>) target(%arg15 : memref<10000xf32, #tpu.memory_space<vmem_shared>>) target_semaphore(%run_scoped3A : memref<!tpu.dma_semaphore, #tpu.memory_space<semaphore_mem>>)
          tpu.wait_dma2 semaphore(%run_scoped3A : memref<!tpu.dma_semaphore, #tpu.memory_space<semaphore_mem>>) src(%arg12 : memref<10000xf32, #tpu.memory_space<vmem>>) dst(%arg15 : memref<10000xf32, #tpu.memory_space<vmem_shared>>)
          tpu.yield
        }) : () -> ()
      } else {
      }
      %eq3A_94 = arith.constant 3 : i32
      %eq3A_95 = arith.cmpi eq, %arg1, %eq3A_94 : i32
      %convert_element_type3A_96 = arith.extui %eq3A_95 : i1 to i32
      %cond3A_97 = arith.constant 0 : i32
      %cond3A_98 = arith.cmpi ne, %convert_element_type3A_96, %cond3A_97 : i32
      scf.if %cond3A_98 {
        "tpu.region"() ({
          %run_scoped3A = tpu.sem_alloc : memref<!tpu.dma_semaphore, #tpu.memory_space<semaphore_mem>>
          tpu.enqueue_dma source(%arg12 : memref<10000xf32, #tpu.memory_space<vmem>>) target(%arg16 : memref<10000xf32, #tpu.memory_space<vmem_shared>>) target_semaphore(%run_scoped3A : memref<!tpu.dma_semaphore, #tpu.memory_space<semaphore_mem>>)
          tpu.wait_dma2 semaphore(%run_scoped3A : memref<!tpu.dma_semaphore, #tpu.memory_space<semaphore_mem>>) src(%arg12 : memref<10000xf32, #tpu.memory_space<vmem>>) dst(%arg16 : memref<10000xf32, #tpu.memory_space<vmem_shared>>)
          tpu.yield
        }) : () -> ()
      } else {
      }
    } else {
    }
    tpu.wait_dma2 semaphore(%arg17 : memref<!tpu.dma_semaphore, #tpu.memory_space<semaphore_mem>>) src(%arg2 : memref<40000xf32, #tpu.memory_space<hbm>>) dst(%arg7 : memref<40000xf32, #tpu.memory_space<vmem>>)
    %dma_wait3A = arith.constant 0 : i32
    %dma_wait3A_20 = tpu.memref_slice %arg3[%add3A, %dma_wait3A] : memref<32x10000xi32, #tpu.memory_space<hbm>> -> memref<1x10000xi32, #tpu.memory_space<hbm>>
    %dma_wait3A_21 = tpu.memref_squeeze %dma_wait3A_20 : memref<1x10000xi32, #tpu.memory_space<hbm>> -> memref<10000xi32, #tpu.memory_space<hbm>>
    %dma_wait3A_22 = arith.constant 0 : i32
    %dma_wait3A_23 = tpu.memref_slice %arg3[%add3A, %dma_wait3A_22] : memref<32x10000xi32, #tpu.memory_space<hbm>> -> memref<1x10000xi32, #tpu.memory_space<hbm>>
    %dma_wait3A_24 = tpu.memref_squeeze %dma_wait3A_23 : memref<1x10000xi32, #tpu.memory_space<hbm>> -> memref<10000xi32, #tpu.memory_space<hbm>>
    tpu.wait_dma2 semaphore(%arg17 : memref<!tpu.dma_semaphore, #tpu.memory_space<semaphore_mem>>) src(%dma_wait3A_24 : memref<10000xi32, #tpu.memory_space<hbm>>) dst(%arg8 : memref<10000xi32, #tpu.memory_space<vmem>>)
    %dma_wait3A_25 = arith.constant 0 : i32
    %dma_wait3A_26 = tpu.memref_slice %arg4[%add3A, %dma_wait3A_25] : memref<32x10000xi32, #tpu.memory_space<hbm>> -> memref<1x10000xi32, #tpu.memory_space<hbm>>
    %dma_wait3A_27 = tpu.memref_squeeze %dma_wait3A_26 : memref<1x10000xi32, #tpu.memory_space<hbm>> -> memref<10000xi32, #tpu.memory_space<hbm>>
    %dma_wait3A_28 = arith.constant 0 : i32
    %dma_wait3A_29 = tpu.memref_slice %arg4[%add3A, %dma_wait3A_28] : memref<32x10000xi32, #tpu.memory_space<hbm>> -> memref<1x10000xi32, #tpu.memory_space<hbm>>
    %dma_wait3A_30 = tpu.memref_squeeze %dma_wait3A_29 : memref<1x10000xi32, #tpu.memory_space<hbm>> -> memref<10000xi32, #tpu.memory_space<hbm>>
    tpu.wait_dma2 semaphore(%arg17 : memref<!tpu.dma_semaphore, #tpu.memory_space<semaphore_mem>>) src(%dma_wait3A_30 : memref<10000xi32, #tpu.memory_space<hbm>>) dst(%arg9 : memref<10000xi32, #tpu.memory_space<vmem>>)
    %dma_wait3A_31 = arith.constant 0 : i32
    %dma_wait3A_32 = tpu.memref_slice %arg5[%add3A, %dma_wait3A_31] : memref<32x10000xf32, #tpu.memory_space<hbm>> -> memref<1x10000xf32, #tpu.memory_space<hbm>>
    %dma_wait3A_33 = tpu.memref_squeeze %dma_wait3A_32 : memref<1x10000xf32, #tpu.memory_space<hbm>> -> memref<10000xf32, #tpu.memory_space<hbm>>
    %dma_wait3A_34 = arith.constant 0 : i32
    %dma_wait3A_35 = tpu.memref_slice %arg5[%add3A, %dma_wait3A_34] : memref<32x10000xf32, #tpu.memory_space<hbm>> -> memref<1x10000xf32, #tpu.memory_space<hbm>>
    %dma_wait3A_36 = tpu.memref_squeeze %dma_wait3A_35 : memref<1x10000xf32, #tpu.memory_space<hbm>> -> memref<10000xf32, #tpu.memory_space<hbm>>
    tpu.wait_dma2 semaphore(%arg17 : memref<!tpu.dma_semaphore, #tpu.memory_space<semaphore_mem>>) src(%dma_wait3A_36 : memref<10000xf32, #tpu.memory_space<hbm>>) dst(%arg10 : memref<10000xf32, #tpu.memory_space<vmem>>)
    %barrier3A = arith.constant 0 : index
    tpu.barrier barrier_id(%barrier3A)
    %broadcast_in_dim3A = arith.constant 0 : i32
    %broadcast_in_dim3A_37 = vector.broadcast %broadcast_in_dim3A : i32 to vector<16xi32>
    %parallel_loop3A = arith.constant 0 : i32
    %parallel_loop3A_38 = arith.constant 10000 : i32
    %parallel_loop3A_39 = arith.constant 16 : i32
    scf.for %parallel_loop3A_77 = %parallel_loop3A to %parallel_loop3A_38 step %parallel_loop3A_39  : i32 {
      %parallel_loop3A_78 = arith.index_cast %parallel_loop3A_77 : i32 to index
      %parallel_loop3A_79 = tpu.vector_load %arg8[%parallel_loop3A_78] {strides = array<i32>} : memref<10000xi32, #tpu.memory_space<vmem>>, vector<16xi32>,
      %parallel_loop3A_80 = arith.addi %parallel_loop3A_79, %broadcast_in_dim3A_37 : vector<16xi32>
      %parallel_loop3A_81 = tpu.vector_load_idx %arg7[%parallel_loop3A_80] : memref<40000xf32, #tpu.memory_space<vmem>>[vector<16xi32>], vector<16xf32>,
      %parallel_loop3A_82 = arith.index_cast %parallel_loop3A_77 : i32 to index
      %parallel_loop3A_83 = tpu.vector_load %arg10[%parallel_loop3A_82] {strides = array<i32>} : memref<10000xf32, #tpu.memory_space<vmem>>, vector<16xf32>,
      %parallel_loop3A_84 = arith.mulf %parallel_loop3A_81, %parallel_loop3A_83 : vector<16xf32>
      %parallel_loop3A_85 = arith.index_cast %parallel_loop3A_77 : i32 to index
      %parallel_loop3A_86 = tpu.vector_load %arg11[%parallel_loop3A_85] {strides = array<i32>} : memref<10000xf32, #tpu.memory_space<vmem>>, vector<16xf32>,
      tpu.vector_store %arg11[%parallel_loop3A_85], %parallel_loop3A_84 {strides = array<i32>} : memref<10000xf32, #tpu.memory_space<vmem>>, vector<16xf32>,
    } {sc.loop_unroll_factor = 4 : i64, sc.parallel_access}
    %dma_start3A_40 = arith.constant 0 : i32
    %dma_start3A_41 = tpu.memref_slice %arg13[%dma_start3A_40] : memref<10000xf32, #tpu.memory_space<vmem_shared>> -> memref<10000xf32, #tpu.memory_space<vmem_shared>>
    tpu.enqueue_indirect_dma source(%arg11 : memref<10000xf32, #tpu.memory_space<vmem>>) target(%dma_start3A_41 : memref<10000xf32, #tpu.memory_space<vmem_shared>>) offsets(%arg9 : memref<10000xi32, #tpu.memory_space<vmem>>) semaphore(%arg17 : memref<!tpu.dma_semaphore, #tpu.memory_space<semaphore_mem>>) {add = true}
    %broadcast_in_dim3A_42 = arith.constant 10000 : i32
    %broadcast_in_dim3A_43 = vector.broadcast %broadcast_in_dim3A_42 : i32 to vector<16xi32>
    %parallel_loop3A_44 = arith.constant 0 : i32
    %parallel_loop3A_45 = arith.constant 10000 : i32
    %parallel_loop3A_46 = arith.constant 16 : i32
    scf.for %parallel_loop3A_77 = %parallel_loop3A_44 to %parallel_loop3A_45 step %parallel_loop3A_46  : i32 {
      %parallel_loop3A_78 = arith.index_cast %parallel_loop3A_77 : i32 to index
      %parallel_loop3A_79 = tpu.vector_load %arg8[%parallel_loop3A_78] {strides = array<i32>} : memref<10000xi32, #tpu.memory_space<vmem>>, vector<16xi32>,
      %parallel_loop3A_80 = arith.addi %parallel_loop3A_79, %broadcast_in_dim3A_43 : vector<16xi32>
      %parallel_loop3A_81 = tpu.vector_load_idx %arg7[%parallel_loop3A_80] : memref<40000xf32, #tpu.memory_space<vmem>>[vector<16xi32>], vector<16xf32>,
      %parallel_loop3A_82 = arith.index_cast %parallel_loop3A_77 : i32 to index
      %parallel_loop3A_83 = tpu.vector_load %arg10[%parallel_loop3A_82] {strides = array<i32>} : memref<10000xf32, #tpu.memory_space<vmem>>, vector<16xf32>,
      %parallel_loop3A_84 = arith.mulf %parallel_loop3A_81, %parallel_loop3A_83 : vector<16xf32>
      %parallel_loop3A_85 = arith.index_cast %parallel_loop3A_77 : i32 to index
      %parallel_loop3A_86 = tpu.vector_load %arg12[%parallel_loop3A_85] {strides = array<i32>} : memref<10000xf32, #tpu.memory_space<vmem>>, vector<16xf32>,
      tpu.vector_store %arg12[%parallel_loop3A_85], %parallel_loop3A_84 {strides = array<i32>} : memref<10000xf32, #tpu.memory_space<vmem>>, vector<16xf32>,
    } {sc.loop_unroll_factor = 4 : i64, sc.parallel_access}
    %dma_start3A_47 = arith.constant 0 : i32
    %dma_start3A_48 = tpu.memref_slice %arg14[%dma_start3A_47] : memref<10000xf32, #tpu.memory_space<vmem_shared>> -> memref<10000xf32, #tpu.memory_space<vmem_shared>>
    tpu.enqueue_indirect_dma source(%arg12 : memref<10000xf32, #tpu.memory_space<vmem>>) target(%dma_start3A_48 : memref<10000xf32, #tpu.memory_space<vmem_shared>>) offsets(%arg9 : memref<10000xi32, #tpu.memory_space<vmem>>) semaphore(%arg17 : memref<!tpu.dma_semaphore, #tpu.memory_space<semaphore_mem>>) {add = true}
    %broadcast_in_dim3A_49 = arith.constant 20000 : i32
    %broadcast_in_dim3A_50 = vector.broadcast %broadcast_in_dim3A_49 : i32 to vector<16xi32>
    %dma_wait3A_51 = arith.constant 0 : i32
    %dma_wait3A_52 = tpu.memref_slice %arg13[%dma_wait3A_51] : memref<10000xf32, #tpu.memory_space<vmem_shared>> -> memref<10000xf32, #tpu.memory_space<vmem_shared>>
    tpu.wait_indirect_dma semaphore(%arg17 : memref<!tpu.dma_semaphore, #tpu.memory_space<semaphore_mem>>) src(%arg11 : memref<10000xf32, #tpu.memory_space<vmem>>) dst(%dma_wait3A_52 : memref<10000xf32, #tpu.memory_space<vmem_shared>>)
    %parallel_loop3A_53 = arith.constant 0 : i32
    %parallel_loop3A_54 = arith.constant 10000 : i32
    %parallel_loop3A_55 = arith.constant 16 : i32
    scf.for %parallel_loop3A_77 = %parallel_loop3A_53 to %parallel_loop3A_54 step %parallel_loop3A_55  : i32 {
      %parallel_loop3A_78 = arith.index_cast %parallel_loop3A_77 : i32 to index
      %parallel_loop3A_79 = tpu.vector_load %arg8[%parallel_loop3A_78] {strides = array<i32>} : memref<10000xi32, #tpu.memory_space<vmem>>, vector<16xi32>,
      %parallel_loop3A_80 = arith.addi %parallel_loop3A_79, %broadcast_in_dim3A_50 : vector<16xi32>
      %parallel_loop3A_81 = tpu.vector_load_idx %arg7[%parallel_loop3A_80] : memref<40000xf32, #tpu.memory_space<vmem>>[vector<16xi32>], vector<16xf32>,
      %parallel_loop3A_82 = arith.index_cast %parallel_loop3A_77 : i32 to index
      %parallel_loop3A_83 = tpu.vector_load %arg10[%parallel_loop3A_82] {strides = array<i32>} : memref<10000xf32, #tpu.memory_space<vmem>>, vector<16xf32>,
      %parallel_loop3A_84 = arith.mulf %parallel_loop3A_81, %parallel_loop3A_83 : vector<16xf32>
      %parallel_loop3A_85 = arith.index_cast %parallel_loop3A_77 : i32 to index
      %parallel_loop3A_86 = tpu.vector_load %arg11[%parallel_loop3A_85] {strides = array<i32>} : memref<10000xf32, #tpu.memory_space<vmem>>, vector<16xf32>,
      tpu.vector_store %arg11[%parallel_loop3A_85], %parallel_loop3A_84 {strides = array<i32>} : memref<10000xf32, #tpu.memory_space<vmem>>, vector<16xf32>,
    } {sc.loop_unroll_factor = 4 : i64, sc.parallel_access}
    %dma_start3A_56 = arith.constant 0 : i32
    %dma_start3A_57 = tpu.memref_slice %arg15[%dma_start3A_56] : memref<10000xf32, #tpu.memory_space<vmem_shared>> -> memref<10000xf32, #tpu.memory_space<vmem_shared>>
    tpu.enqueue_indirect_dma source(%arg11 : memref<10000xf32, #tpu.memory_space<vmem>>) target(%dma_start3A_57 : memref<10000xf32, #tpu.memory_space<vmem_shared>>) offsets(%arg9 : memref<10000xi32, #tpu.memory_space<vmem>>) semaphore(%arg17 : memref<!tpu.dma_semaphore, #tpu.memory_space<semaphore_mem>>) {add = true}
    %broadcast_in_dim3A_58 = arith.constant 30000 : i32
    %broadcast_in_dim3A_59 = vector.broadcast %broadcast_in_dim3A_58 : i32 to vector<16xi32>
    %dma_wait3A_60 = arith.constant 0 : i32
    %dma_wait3A_61 = tpu.memref_slice %arg14[%dma_wait3A_60] : memref<10000xf32, #tpu.memory_space<vmem_shared>> -> memref<10000xf32, #tpu.memory_space<vmem_shared>>
    tpu.wait_indirect_dma semaphore(%arg17 : memref<!tpu.dma_semaphore, #tpu.memory_space<semaphore_mem>>) src(%arg12 : memref<10000xf32, #tpu.memory_space<vmem>>) dst(%dma_wait3A_61 : memref<10000xf32, #tpu.memory_space<vmem_shared>>)
    %parallel_loop3A_62 = arith.constant 0 : i32
    %parallel_loop3A_63 = arith.constant 10000 : i32
    %parallel_loop3A_64 = arith.constant 16 : i32
    scf.for %parallel_loop3A_77 = %parallel_loop3A_62 to %parallel_loop3A_63 step %parallel_loop3A_64  : i32 {
      %parallel_loop3A_78 = arith.index_cast %parallel_loop3A_77 : i32 to index
      %parallel_loop3A_79 = tpu.vector_load %arg8[%parallel_loop3A_78] {strides = array<i32>} : memref<10000xi32, #tpu.memory_space<vmem>>, vector<16xi32>,
      %parallel_loop3A_80 = arith.addi %parallel_loop3A_79, %broadcast_in_dim3A_59 : vector<16xi32>
      %parallel_loop3A_81 = tpu.vector_load_idx %arg7[%parallel_loop3A_80] : memref<40000xf32, #tpu.memory_space<vmem>>[vector<16xi32>], vector<16xf32>,
      %parallel_loop3A_82 = arith.index_cast %parallel_loop3A_77 : i32 to index
      %parallel_loop3A_83 = tpu.vector_load %arg10[%parallel_loop3A_82] {strides = array<i32>} : memref<10000xf32, #tpu.memory_space<vmem>>, vector<16xf32>,
      %parallel_loop3A_84 = arith.mulf %parallel_loop3A_81, %parallel_loop3A_83 : vector<16xf32>
      %parallel_loop3A_85 = arith.index_cast %parallel_loop3A_77 : i32 to index
      %parallel_loop3A_86 = tpu.vector_load %arg12[%parallel_loop3A_85] {strides = array<i32>} : memref<10000xf32, #tpu.memory_space<vmem>>, vector<16xf32>,
      tpu.vector_store %arg12[%parallel_loop3A_85], %parallel_loop3A_84 {strides = array<i32>} : memref<10000xf32, #tpu.memory_space<vmem>>, vector<16xf32>,
    } {sc.loop_unroll_factor = 4 : i64, sc.parallel_access}
    %dma_start3A_65 = arith.constant 0 : i32
    %dma_start3A_66 = tpu.memref_slice %arg16[%dma_start3A_65] : memref<10000xf32, #tpu.memory_space<vmem_shared>> -> memref<10000xf32, #tpu.memory_space<vmem_shared>>
    tpu.enqueue_indirect_dma source(%arg12 : memref<10000xf32, #tpu.memory_space<vmem>>) target(%dma_start3A_66 : memref<10000xf32, #tpu.memory_space<vmem_shared>>) offsets(%arg9 : memref<10000xi32, #tpu.memory_space<vmem>>) semaphore(%arg17 : memref<!tpu.dma_semaphore, #tpu.memory_space<semaphore_mem>>) {add = true}
    %dma_wait3A_67 = arith.constant 0 : i32
    %dma_wait3A_68 = tpu.memref_slice %arg15[%dma_wait3A_67] : memref<10000xf32, #tpu.memory_space<vmem_shared>> -> memref<10000xf32, #tpu.memory_space<vmem_shared>>
    tpu.wait_indirect_dma semaphore(%arg17 : memref<!tpu.dma_semaphore, #tpu.memory_space<semaphore_mem>>) src(%arg11 : memref<10000xf32, #tpu.memory_space<vmem>>) dst(%dma_wait3A_68 : memref<10000xf32, #tpu.memory_space<vmem_shared>>)
    %dma_wait3A_69 = arith.constant 0 : i32
    %dma_wait3A_70 = tpu.memref_slice %arg16[%dma_wait3A_69] : memref<10000xf32, #tpu.memory_space<vmem_shared>> -> memref<10000xf32, #tpu.memory_space<vmem_shared>>
    tpu.wait_indirect_dma semaphore(%arg17 : memref<!tpu.dma_semaphore, #tpu.memory_space<semaphore_mem>>) src(%arg12 : memref<10000xf32, #tpu.memory_space<vmem>>) dst(%dma_wait3A_70 : memref<10000xf32, #tpu.memory_space<vmem_shared>>)
    %barrier3A_71 = arith.constant 0 : index
    tpu.barrier barrier_id(%barrier3A_71)
    %lt3A_72 = arith.constant 4 : i32
    %lt3A_73 = arith.cmpi slt, %arg1, %lt3A_72 : i32
    %convert_element_type3A_74 = arith.extui %lt3A_73 : i1 to i32
    %cond3A_75 = arith.constant 0 : i32
    %cond3A_76 = arith.cmpi ne, %convert_element_type3A_74, %cond3A_75 : i32
    scf.if %cond3A_76 {
      %eq3A = arith.constant 0 : i32
      %eq3A_77 = arith.cmpi eq, %arg1, %eq3A : i32
      %convert_element_type3A_78 = arith.extui %eq3A_77 : i1 to i32
      %cond3A_79 = arith.constant 0 : i32
      %cond3A_80 = arith.cmpi ne, %convert_element_type3A_78, %cond3A_79 : i32
      scf.if %cond3A_80 {
        %run_scoped3A = arith.constant 0 : i32
        "tpu.region"() ({
          %run_scoped3A_96 = tpu.sem_alloc : memref<!tpu.dma_semaphore, #tpu.memory_space<semaphore_mem>>
          %dma_start3A_97 = arith.constant 0 : i32
          %dma_start3A_98 = tpu.memref_slice %arg6[%arg0, %run_scoped3A, %dma_start3A_97] : memref<2x4x10000xf32, #tpu.memory_space<hbm>> -> memref<1x1x10000xf32, #tpu.memory_space<hbm>>
          %dma_start3A_99 = tpu.memref_squeeze %dma_start3A_98 : memref<1x1x10000xf32, #tpu.memory_space<hbm>> -> memref<10000xf32, #tpu.memory_space<hbm>>
          tpu.enqueue_dma source(%arg13 : memref<10000xf32, #tpu.memory_space<vmem_shared>>) target(%dma_start3A_99 : memref<10000xf32, #tpu.memory_space<hbm>>) target_semaphore(%run_scoped3A_96 : memref<!tpu.dma_semaphore, #tpu.memory_space<semaphore_mem>>)
          %dma_wait3A_100 = arith.constant 0 : i32
          %dma_wait3A_101 = tpu.memref_slice %arg6[%arg0, %run_scoped3A, %dma_wait3A_100] : memref<2x4x10000xf32, #tpu.memory_space<hbm>> -> memref<1x1x10000xf32, #tpu.memory_space<hbm>>
          %dma_wait3A_102 = tpu.memref_squeeze %dma_wait3A_101 : memref<1x1x10000xf32, #tpu.memory_space<hbm>> -> memref<10000xf32, #tpu.memory_space<hbm>>
          tpu.wait_dma2 semaphore(%run_scoped3A_96 : memref<!tpu.dma_semaphore, #tpu.memory_space<semaphore_mem>>) src(%arg13 : memref<10000xf32, #tpu.memory_space<vmem_shared>>) dst(%dma_wait3A_102 : memref<10000xf32, #tpu.memory_space<hbm>>)
          tpu.yield
        }) : () -> ()
      } else {
      }
      %eq3A_81 = arith.constant 1 : i32
      %eq3A_82 = arith.cmpi eq, %arg1, %eq3A_81 : i32
      %convert_element_type3A_83 = arith.extui %eq3A_82 : i1 to i32
      %cond3A_84 = arith.constant 0 : i32
      %cond3A_85 = arith.cmpi ne, %convert_element_type3A_83, %cond3A_84 : i32
      scf.if %cond3A_85 {
        %run_scoped3A = arith.constant 1 : i32
        "tpu.region"() ({
          %run_scoped3A_96 = tpu.sem_alloc : memref<!tpu.dma_semaphore, #tpu.memory_space<semaphore_mem>>
          %dma_start3A_97 = arith.constant 0 : i32
          %dma_start3A_98 = tpu.memref_slice %arg6[%arg0, %run_scoped3A, %dma_start3A_97] : memref<2x4x10000xf32, #tpu.memory_space<hbm>> -> memref<1x1x10000xf32, #tpu.memory_space<hbm>>
          %dma_start3A_99 = tpu.memref_squeeze %dma_start3A_98 : memref<1x1x10000xf32, #tpu.memory_space<hbm>> -> memref<10000xf32, #tpu.memory_space<hbm>>
          tpu.enqueue_dma source(%arg14 : memref<10000xf32, #tpu.memory_space<vmem_shared>>) target(%dma_start3A_99 : memref<10000xf32, #tpu.memory_space<hbm>>) target_semaphore(%run_scoped3A_96 : memref<!tpu.dma_semaphore, #tpu.memory_space<semaphore_mem>>)
          %dma_wait3A_100 = arith.constant 0 : i32
          %dma_wait3A_101 = tpu.memref_slice %arg6[%arg0, %run_scoped3A, %dma_wait3A_100] : memref<2x4x10000xf32, #tpu.memory_space<hbm>> -> memref<1x1x10000xf32, #tpu.memory_space<hbm>>
          %dma_wait3A_102 = tpu.memref_squeeze %dma_wait3A_101 : memref<1x1x10000xf32, #tpu.memory_space<hbm>> -> memref<10000xf32, #tpu.memory_space<hbm>>
          tpu.wait_dma2 semaphore(%run_scoped3A_96 : memref<!tpu.dma_semaphore, #tpu.memory_space<semaphore_mem>>) src(%arg14 : memref<10000xf32, #tpu.memory_space<vmem_shared>>) dst(%dma_wait3A_102 : memref<10000xf32, #tpu.memory_space<hbm>>)
          tpu.yield
        }) : () -> ()
      } else {
      }
      %eq3A_86 = arith.constant 2 : i32
      %eq3A_87 = arith.cmpi eq, %arg1, %eq3A_86 : i32
      %convert_element_type3A_88 = arith.extui %eq3A_87 : i1 to i32
      %cond3A_89 = arith.constant 0 : i32
      %cond3A_90 = arith.cmpi ne, %convert_element_type3A_88, %cond3A_89 : i32
      scf.if %cond3A_90 {
        %run_scoped3A = arith.constant 2 : i32
        "tpu.region"() ({
          %run_scoped3A_96 = tpu.sem_alloc : memref<!tpu.dma_semaphore, #tpu.memory_space<semaphore_mem>>
          %dma_start3A_97 = arith.constant 0 : i32
          %dma_start3A_98 = tpu.memref_slice %arg6[%arg0, %run_scoped3A, %dma_start3A_97] : memref<2x4x10000xf32, #tpu.memory_space<hbm>> -> memref<1x1x10000xf32, #tpu.memory_space<hbm>>
          %dma_start3A_99 = tpu.memref_squeeze %dma_start3A_98 : memref<1x1x10000xf32, #tpu.memory_space<hbm>> -> memref<10000xf32, #tpu.memory_space<hbm>>
          tpu.enqueue_dma source(%arg15 : memref<10000xf32, #tpu.memory_space<vmem_shared>>) target(%dma_start3A_99 : memref<10000xf32, #tpu.memory_space<hbm>>) target_semaphore(%run_scoped3A_96 : memref<!tpu.dma_semaphore, #tpu.memory_space<semaphore_mem>>)
          %dma_wait3A_100 = arith.constant 0 : i32
          %dma_wait3A_101 = tpu.memref_slice %arg6[%arg0, %run_scoped3A, %dma_wait3A_100] : memref<2x4x10000xf32, #tpu.memory_space<hbm>> -> memref<1x1x10000xf32, #tpu.memory_space<hbm>>
          %dma_wait3A_102 = tpu.memref_squeeze %dma_wait3A_101 : memref<1x1x10000xf32, #tpu.memory_space<hbm>> -> memref<10000xf32, #tpu.memory_space<hbm>>
          tpu.wait_dma2 semaphore(%run_scoped3A_96 : memref<!tpu.dma_semaphore, #tpu.memory_space<semaphore_mem>>) src(%arg15 : memref<10000xf32, #tpu.memory_space<vmem_shared>>) dst(%dma_wait3A_102 : memref<10000xf32, #tpu.memory_space<hbm>>)
          tpu.yield
        }) : () -> ()
      } else {
      }
      %eq3A_91 = arith.constant 3 : i32
      %eq3A_92 = arith.cmpi eq, %arg1, %eq3A_91 : i32
      %convert_element_type3A_93 = arith.extui %eq3A_92 : i1 to i32
      %cond3A_94 = arith.constant 0 : i32
      %cond3A_95 = arith.cmpi ne, %convert_element_type3A_93, %cond3A_94 : i32
      scf.if %cond3A_95 {
        %run_scoped3A = arith.constant 3 : i32
        "tpu.region"() ({
          %run_scoped3A_96 = tpu.sem_alloc : memref<!tpu.dma_semaphore, #tpu.memory_space<semaphore_mem>>
          %dma_start3A_97 = arith.constant 0 : i32
          %dma_start3A_98 = tpu.memref_slice %arg6[%arg0, %run_scoped3A, %dma_start3A_97] : memref<2x4x10000xf32, #tpu.memory_space<hbm>> -> memref<1x1x10000xf32, #tpu.memory_space<hbm>>
          %dma_start3A_99 = tpu.memref_squeeze %dma_start3A_98 : memref<1x1x10000xf32, #tpu.memory_space<hbm>> -> memref<10000xf32, #tpu.memory_space<hbm>>
          tpu.enqueue_dma source(%arg16 : memref<10000xf32, #tpu.memory_space<vmem_shared>>) target(%dma_start3A_99 : memref<10000xf32, #tpu.memory_space<hbm>>) target_semaphore(%run_scoped3A_96 : memref<!tpu.dma_semaphore, #tpu.memory_space<semaphore_mem>>)
          %dma_wait3A_100 = arith.constant 0 : i32
          %dma_wait3A_101 = tpu.memref_slice %arg6[%arg0, %run_scoped3A, %dma_wait3A_100] : memref<2x4x10000xf32, #tpu.memory_space<hbm>> -> memref<1x1x10000xf32, #tpu.memory_space<hbm>>
          %dma_wait3A_102 = tpu.memref_squeeze %dma_wait3A_101 : memref<1x1x10000xf32, #tpu.memory_space<hbm>> -> memref<10000xf32, #tpu.memory_space<hbm>>
          tpu.wait_dma2 semaphore(%run_scoped3A_96 : memref<!tpu.dma_semaphore, #tpu.memory_space<semaphore_mem>>) src(%arg16 : memref<10000xf32, #tpu.memory_space<vmem_shared>>) dst(%dma_wait3A_102 : memref<10000xf32, #tpu.memory_space<hbm>>)
          tpu.yield
        }) : () -> ()
      } else {
      }
    } else {
    }
    return
  }
}

module attributes {stable_mosaic.version = 14 : i64} {
  func.func @_dense_body(%arg0: i32, %arg1: memref<2000x64xf32, #tpu.memory_space<vmem>>, %arg2: memref<2000x4xf32, #tpu.memory_space<vmem>>, %arg3: memref<64x64xf32, #tpu.memory_space<vmem>>, %arg4: memref<4x64xf32, #tpu.memory_space<vmem>>, %arg5: memref<8x64xf32, #tpu.memory_space<vmem>>, %arg6: memref<2000x64xf32, #tpu.memory_space<vmem>>, %arg7: memref<2000x8xf32, #tpu.memory_space<vmem>>, %arg8: memref<2000x8xf32, #tpu.memory_space<vmem>>) attributes {dimension_semantics = [#tpu.dimension_semantics<arbitrary>], iteration_bounds = array<i64: 20>, scalar_prefetch = 0 : i64, scratch_operands = 0 : i64, tpu.core_type = #tpu.core_type<tc>, window_params = [{transform_indices = @transform_0, window_bounds = array<i64: 2000, 64>}, {transform_indices = @transform_1, window_bounds = array<i64: 2000, 4>}, {pipeline_mode = #tpu.pipeline_mode<synchronous>, transform_indices = @transform_2, window_bounds = array<i64: 64, 64>}, {pipeline_mode = #tpu.pipeline_mode<synchronous>, transform_indices = @transform_3, window_bounds = array<i64: 4, 64>}, {pipeline_mode = #tpu.pipeline_mode<synchronous>, transform_indices = @transform_4, window_bounds = array<i64: 8, 64>}, {transform_indices = @transform_5, window_bounds = array<i64: 2000, 64>}, {transform_indices = @transform_6, window_bounds = array<i64: 2000, 8>}, {transform_indices = @transform_7, window_bounds = array<i64: 2000, 8>}]} {
    %get3A = arith.constant 0 : index
    %get3A_0 = arith.constant 0 : index
    %get3A_1 = vector.load %arg2[%get3A, %get3A_0] : memref<2000x4xf32, #tpu.memory_space<vmem>>, vector<2000x4xf32>
    %slice3A = vector.extract_strided_slice %get3A_1 {offsets = [0, 0], sizes = [2000, 1], strides = [1, 1]} : vector<2000x4xf32> to vector<2000x1xf32>
    %slice3A_2 = vector.extract_strided_slice %get3A_1 {offsets = [0, 1], sizes = [2000, 1], strides = [1, 1]} : vector<2000x4xf32> to vector<2000x1xf32>
    %add3A = arith.addf %slice3A, %slice3A_2 : vector<2000x1xf32>
    %slice3A_3 = vector.extract_strided_slice %get3A_1 {offsets = [0, 2], sizes = [2000, 1], strides = [1, 1]} : vector<2000x4xf32> to vector<2000x1xf32>
    %get3A_4 = arith.constant 0 : index
    %get3A_5 = arith.constant 0 : index
    %get3A_6 = vector.load %arg4[%get3A_4, %get3A_5] : memref<4x64xf32, #tpu.memory_space<vmem>>, vector<1x64xf32>
    %mul3A = vector.broadcast %add3A : vector<2000x1xf32> to vector<2000x64xf32>
    %mul3A_7 = vector.broadcast %get3A_6 : vector<1x64xf32> to vector<2000x64xf32>
    %mul3A_8 = arith.mulf %mul3A, %mul3A_7 : vector<2000x64xf32>
    %get3A_9 = arith.constant 2 : index
    %get3A_10 = arith.constant 0 : index
    %get3A_11 = vector.load %arg4[%get3A_9, %get3A_10] : memref<4x64xf32, #tpu.memory_space<vmem>>, vector<1x64xf32>
    %mul3A_12 = vector.broadcast %slice3A_3 : vector<2000x1xf32> to vector<2000x64xf32>
    %mul3A_13 = vector.broadcast %get3A_11 : vector<1x64xf32> to vector<2000x64xf32>
    %mul3A_14 = arith.mulf %mul3A_12, %mul3A_13 : vector<2000x64xf32>
    %add3A_15 = arith.addf %mul3A_8, %mul3A_14 : vector<2000x64xf32>
    %get3A_16 = arith.constant 0 : index
    %get3A_17 = arith.constant 0 : index
    %get3A_18 = vector.load %arg1[%get3A_16, %get3A_17] : memref<2000x64xf32, #tpu.memory_space<vmem>>, vector<2000x64xf32>
    %get3A_19 = arith.constant 0 : index
    %get3A_20 = arith.constant 0 : index
    %get3A_21 = vector.load %arg3[%get3A_19, %get3A_20] : memref<64x64xf32, #tpu.memory_space<vmem>>, vector<64x64xf32>
    %dot_general3A = arith.constant dense<0.000000e+00> : vector<2000x64xf32>
    %dot_general3A_22 = tpu.matmul %get3A_18, %get3A_21, %dot_general3A {dimension_numbers = #tpu.dot_dimension_numbers<[1], [0], [0], [1], [0, 0, 1, 1], [], []>, transpose_lhs_hint = false} : vector<2000x64xf32>, vector<64x64xf32>, vector<2000x64xf32> -> vector<2000x64xf32>
    %add3A_23 = arith.addf %add3A_15, %dot_general3A_22 : vector<2000x64xf32>
    %get3A_24 = arith.constant 3 : index
    %get3A_25 = arith.constant 0 : index
    %get3A_26 = vector.load %arg4[%get3A_24, %get3A_25] : memref<4x64xf32, #tpu.memory_space<vmem>>, vector<1x64xf32>
    %add3A_27 = vector.broadcast %get3A_26 : vector<1x64xf32> to vector<2000x64xf32>
    %add3A_28 = arith.addf %add3A_23, %add3A_27 : vector<2000x64xf32>
    %tanh3A = math.tanh %add3A_28 : vector<2000x64xf32>
    %swap3A = arith.constant 0 : index
    %swap3A_29 = arith.constant 0 : index
    %swap3A_30 = vector.load %arg6[%swap3A, %swap3A_29] : memref<2000x64xf32, #tpu.memory_space<vmem>>, vector<2000x64xf32>
    tpu.vector_store %arg6[%swap3A, %swap3A_29], %tanh3A {strides = array<i32>} : memref<2000x64xf32, #tpu.memory_space<vmem>>, vector<2000x64xf32>,
    %get3A_31 = arith.constant 0 : index
    %get3A_32 = arith.constant 0 : index
    %get3A_33 = vector.load %arg5[%get3A_31, %get3A_32] : memref<8x64xf32, #tpu.memory_space<vmem>>, vector<8x64xf32>
    %transpose3A = tpu.transpose %get3A_33, [1, 0] : vector<8x64xf32> -> vector<64x8xf32>
    %dot_general3A_34 = arith.constant dense<0.000000e+00> : vector<2000x8xf32>
    %dot_general3A_35 = tpu.matmul %tanh3A, %transpose3A, %dot_general3A_34 {dimension_numbers = #tpu.dot_dimension_numbers<[1], [0], [0], [1], [0, 0, 1, 1], [], []>, transpose_lhs_hint = false} : vector<2000x64xf32>, vector<64x8xf32>, vector<2000x8xf32> -> vector<2000x8xf32>
    %mul3A_36 = arith.constant 7.500000e+01 : f32
    %mul3A_37 = vector.broadcast %mul3A_36 : f32 to vector<2000x8xf32>
    %mul3A_38 = arith.mulf %dot_general3A_35, %mul3A_37 : vector<2000x8xf32>
    %sub3A = arith.constant 2.500000e+01 : f32
    %sub3A_39 = vector.broadcast %sub3A : f32 to vector<2000x8xf32>
    %sub3A_40 = arith.subf %mul3A_38, %sub3A_39 : vector<2000x8xf32>
    %jit3A = arith.constant -1.000000e+02 : f32
    %jit3A_41 = arith.constant 5.000000e+01 : f32
    %max3A = vector.broadcast %jit3A : f32 to vector<2000x8xf32>
    %max3A_42 = arith.maximumf %max3A, %sub3A_40 : vector<2000x8xf32>
    %min3A = vector.broadcast %jit3A_41 : f32 to vector<2000x8xf32>
    %min3A_43 = arith.minimumf %min3A, %max3A_42 : vector<2000x8xf32>
    %swap3A_44 = arith.constant 0 : index
    %swap3A_45 = arith.constant 0 : index
    %swap3A_46 = vector.load %arg7[%swap3A_44, %swap3A_45] : memref<2000x8xf32, #tpu.memory_space<vmem>>, vector<2000x8xf32>
    tpu.vector_store %arg7[%swap3A_44, %swap3A_45], %min3A_43 {strides = array<i32>} : memref<2000x8xf32, #tpu.memory_space<vmem>>, vector<2000x8xf32>,
    %add3A_47 = arith.constant 2.500000e+01 : f32
    %add3A_48 = vector.broadcast %add3A_47 : f32 to vector<2000x8xf32>
    %add3A_49 = arith.addf %min3A_43, %add3A_48 : vector<2000x8xf32>
    %div3A = arith.constant 7.500000e+01 : f32
    %div3A_50 = vector.broadcast %div3A : f32 to vector<2000x8xf32>
    %div3A_51 = arith.divf %add3A_49, %div3A_50 : vector<2000x8xf32>
    %swap3A_52 = arith.constant 0 : index
    %swap3A_53 = arith.constant 0 : index
    %swap3A_54 = vector.load %arg8[%swap3A_52, %swap3A_53] : memref<2000x8xf32, #tpu.memory_space<vmem>>, vector<2000x8xf32>
    tpu.vector_store %arg8[%swap3A_52, %swap3A_53], %div3A_51 {strides = array<i32>} : memref<2000x8xf32, #tpu.memory_space<vmem>>, vector<2000x8xf32>,
    return
  }
  func.func @transform_0(%arg0: i32) -> (i32, i32) {
    %c0_i32 = arith.constant 0 : i32
    %c0_i32_0 = arith.constant 0 : i32
    return %arg0, %c0_i32 : i32, i32
  }
  func.func @transform_1(%arg0: i32) -> (i32, i32) {
    %c0_i32 = arith.constant 0 : i32
    %c0_i32_0 = arith.constant 0 : i32
    return %arg0, %c0_i32 : i32, i32
  }
  func.func @transform_2(%arg0: i32) -> (i32, i32) {
    %c0_i32 = arith.constant 0 : i32
    %c0_i32_0 = arith.constant 0 : i32
    %c0_i32_1 = arith.constant 0 : i32
    return %c0_i32, %c0_i32_0 : i32, i32
  }
  func.func @transform_3(%arg0: i32) -> (i32, i32) {
    %c0_i32 = arith.constant 0 : i32
    %c0_i32_0 = arith.constant 0 : i32
    %c0_i32_1 = arith.constant 0 : i32
    return %c0_i32, %c0_i32_0 : i32, i32
  }
  func.func @transform_4(%arg0: i32) -> (i32, i32) {
    %c0_i32 = arith.constant 0 : i32
    %c0_i32_0 = arith.constant 0 : i32
    %c0_i32_1 = arith.constant 0 : i32
    return %c0_i32, %c0_i32_0 : i32, i32
  }
  func.func @transform_5(%arg0: i32) -> (i32, i32) {
    %c0_i32 = arith.constant 0 : i32
    %c0_i32_0 = arith.constant 0 : i32
    return %arg0, %c0_i32 : i32, i32
  }
  func.func @transform_6(%arg0: i32) -> (i32, i32) {
    %c0_i32 = arith.constant 0 : i32
    %c0_i32_0 = arith.constant 0 : i32
    return %arg0, %c0_i32 : i32, i32
  }
  func.func @transform_7(%arg0: i32) -> (i32, i32) {
    %c0_i32 = arith.constant 0 : i32
    %c0_i32_0 = arith.constant 0 : i32
    return %arg0, %c0_i32 : i32, i32
  }
}

</mosaic_0001>

<sc_bundles>
// kernel: closed_call.13.cloned.1.call-start
scs
__scs_entry_jumppad:
0x0: {  	(pc) =	sbr.rel $0x88, $3  }
0x1: {  	(tag) =	ssettag $0x0;
	lr =	simm.s32 $0x1  }
0x2: {  	[smem:$0x3F99] =	sst lr;
	_ =	strace $0xD0000000  }
0x3: {  	_ = 	snop  }
0x4: {  	_ = 	snop  }
0x5: {  	_ = 	snop  }
0x6: {  	_ = 	snop  }
0x7: {  	_ = 	snop  }
__scs_overlays_trampoline_lowered:
0x8: {  	[smem:$0x3FA8] =	sst s0  }
0x9: {  	[smem:$0x3FA9] =	sst s1  }
0xa: {  	[smem:$0x3FAA] =	sst s2  }
0xb: {  	[smem:$0x3FAB] =	sst s3  }
0xc: {  	[smem:$0x3FAC] =	sst s4  }
0xd: {  	[smem:$0x3FAD] =	sst s5  }
0xe: {  	[smem:$0x3FAE] =	sst s6  }
0xf: {  	[smem:$0x3FAF] =	sst s7  }
0x10: {  	[smem:$0x3FB0] =	sst s8  }
0x11: {  	[smem:$0x3FB1] =	sst s9;
	s0 =	simm.s32 @!p0 $0x0  }
0x12: {  	s1 =	sld [smem:$0x3F97];
	s0 =	simm.s32 @p0 $0x1  }
0x13: {  	[smem:$0x3FB2] =	sst s0;
	s0 =	simm.s32 @!p1 $0x0  }
0x14: {  	s2 =	sld [smem:$0x3F96];
	s0 =	simm.s32 @p1 $0x1  }
0x15: {  	[smem:$0x3FB3] =	sst s0;
	s0 =	simm.s32 @!p2 $0x0  }
0x16: {  	s3 =	sld [smem:$0x3FDB];
	s0 =	simm.s32 @p2 $0x1  }
0x17: {  	s4 =	simm.s32 $0x1BF5;
	[smem:$0x3FB5] =	sst s0  }
0x18: {  	s0 =	sld [smem:$0x3F98];
	_ =	swait.ge [sflag:s4], $0x0  }
0x19: {  	s7 =	sld [smem:$0x3F99]  }
0x1a: {  	s8 =	sadd.s32 $0xFFFFE003, lr  }
0x1b: {  	s9 =	sadd.s32 $0xFFFFFEF7, lr;
	s5 =	simm.s32 $0xFFFFFFFF;
	p2 =	slt.u32 s8, $0xFFFFF086  }
0x1c: {  	p1 =	slt.u32 s9, $0xF7A;
	s5 =	simm.s32 @!p2 $0x0  }
0x1d: {  	s5 =	simm.s32 @p1 $0x1;
	p0 =	seq.s32 s7, s2  }
0x1e: {  	s7 =	smul.u32 @!p0 $0xF7A, s2;
	p2 =	seq.s32 @!p0 s5, $0x0  }
0x1f: {  	s9 =	smul.u32 $0xF7A, s1;
	s8 =	simm.s32 @!p0 $0x1BF5;
	p2 =	por !p2, p0  }
0x20: {  	[sflag:s8] =	ssyncset.s32 @!p0 $0xFFFFF086;
	s6 =	sadd.s32 @!p0 s3, s7;
	s7 =	simm.s32 @!p0 $0x108  }
0x21: {  	s3 =	sadd.s32 s3, s9;
	s6 =	sadd.s32 @!p0 $0x88, s6;
	s7 =	simm.s32 @p2 $0x1082  }
0x22: {  	[simem:s7], [sflag:s8] =	dma.local @!p0 [hbm:s6], $0xF7A  }
0x23: {  	s9 =	sor.u32 $0xD0000000, s2;
	s6 =	simm.s32 $0x108;
	_ =	swait.ge @!p0 [sflag:s8], $0x0  }
0x24: {  	s3 =	sadd.s32 $0x88, s3;
	s6 =	simm.s32 @!p1 $0x1082;
	[sflag:s4] =	ssyncset.s32 $0xFFFFF086  }
0x25: {  	[simem:s6], [sflag:s4] =	dma.local [hbm:s3], $0xF7A  }
0x26: {  	[smem:$0x3F99] =	sst s1;
	(tag) =	ssettag s2;
	_ =	strace s9  }
0x27: {  	s1 =	sld [smem:$0x3FA9]  }
0x28: {  	s2 =	sld [smem:$0x3FAA]  }
0x29: {  	s4 =	sld [smem:$0x3FAC]  }
0x2a: {  	p0 =	seq.s32 s5, $0x0;
	s5 =	sld [smem:$0x3FAD]  }
0x2b: {  	s6 =	sld [smem:$0x3FAE]  }
0x2c: {  	s7 =	sld [smem:$0x3FAF]  }
0x2d: {  	s3 =	simm.s32 $0x108;
	s8 =	sld [smem:$0x3FB0]  }
0x2e: {  	s3 =	simm.s32 @!p0 $0x1082;
	s9 =	sld [smem:$0x3FB1]  }
0x2f: {  	lr =	sadd.s32 s0, s3;
	s0 =	sld [smem:$0x3FA8]  }
0x30: {  	s3 =	sld [smem:$0x3FAB]  }
0x31: {  	[smem:$0x3FB4] =	sst s10  }
0x32: {  	s10 =	sld [smem:$0x3FB2];
	_ =	sdelay $0x3  }
0x33: {  	p0 =	seq.s32 s10, $0x1;
	s10 =	sld [smem:$0x3FB4];
	_ =	sdelay $0x3  }
0x34: {  	[smem:$0x3FB4] =	sst s10  }
0x35: {  	s10 =	sld [smem:$0x3FB3];
	_ =	sdelay $0x3  }
0x36: {  	p1 =	seq.s32 s10, $0x1;
	s10 =	sld [smem:$0x3FB4];
	_ =	sdelay $0x3  }
0x37: {  	[smem:$0x3FB4] =	sst s10  }
0x38: {  	s10 =	sld [smem:$0x3FB5]  }
0x39: {  	_ = 	snop;
	(pc) =	sbr.ind lr, $3  }
0x3a: {  	_ = 	snop  }
0x3b: {  	_ = 	snop  }
0x3c: {  	p2 =	seq.s32 s10, $0x1;
	s10 =	sld [smem:$0x3FB4]  }
0x3d: {  	_ =	shalt  }
0x3e: {  	_ =	shalt  }
0x3f: {  	_ =	shalt  }
0x40: {  	_ =	shalt  }
0x41: {  	_ =	shalt  }
0x42: {  	_ =	shalt  }
0x43: {  	_ =	shalt  }
0x44: {  	_ =	shalt  }
0x45: {  	_ =	shalt  }
0x46: {  	_ =	shalt  }
0x47: {  	_ =	shalt  }
0x48: {  	_ =	shalt  }
0x49: {  	_ =	shalt  }
0x4a: {  	_ =	shalt  }
0x4b: {  	_ =	shalt  }
0x4c: {  	_ =	shalt  }
0x4d: {  	_ =	shalt  }
0x4e: {  	_ =	shalt  }
0x4f: {  	_ =	shalt  }
0x50: {  	_ =	shalt  }
0x51: {  	_ =	shalt  }
0x52: {  	_ =	shalt  }
0x53: {  	_ =	shalt  }
0x54: {  	_ =	shalt  }
0x55: {  	_ =	shalt  }
0x56: {  	_ =	shalt  }
0x57: {  	_ =	shalt  }
0x58: {  	_ =	shalt  }
0x59: {  	_ =	shalt  }
0x5a: {  	_ =	shalt  }
0x5b: {  	_ =	shalt  }
0x5c: {  	_ =	shalt  }
0x5d: {  	_ =	shalt  }
0x5e: {  	_ =	shalt  }
0x5f: {  	_ =	shalt  }
0x60: {  	_ =	shalt  }
0x61: {  	_ =	shalt  }
0x62: {  	_ =	shalt  }
0x63: {  	_ =	shalt  }
0x64: {  	_ =	shalt  }
0x65: {  	_ =	shalt  }
0x66: {  	_ =	shalt  }
0x67: {  	_ =	shalt  }
0x68: {  	_ =	shalt  }
0x69: {  	_ =	shalt  }
0x6a: {  	_ =	shalt  }
0x6b: {  	_ =	shalt  }
0x6c: {  	_ =	shalt  }
0x6d: {  	_ =	shalt  }
0x6e: {  	_ =	shalt  }
0x6f: {  	_ =	shalt  }
0x70: {  	_ =	shalt  }
0x71: {  	_ =	shalt  }
0x72: {  	_ =	shalt  }
0x73: {  	_ =	shalt  }
0x74: {  	_ =	shalt  }
0x75: {  	_ =	shalt  }
0x76: {  	_ =	shalt  }
0x77: {  	_ =	shalt  }
0x78: {  	_ =	shalt  }
0x79: {  	_ =	shalt  }
0x7a: {  	_ =	shalt  }
0x7b: {  	_ =	shalt  }
0x7c: {  	_ =	shalt  }
0x7d: {  	_ =	shalt  }
0x7e: {  	_ =	shalt  }
0x7f: {  	_ =	shalt  }
0x80: {  	_ =	shalt  }
0x81: {  	_ =	shalt  }
0x82: {  	_ =	shalt  }
0x83: {  	_ =	shalt  }
0x84: {  	_ =	shalt  }
0x85: {  	_ =	shalt  }
0x86: {  	_ =	shalt  }
0x87: {  	_ =	shalt  }
.Lfunc_end0:
.L_simem_size_0:
called_computation_lowered:
.L_overlay_start_0:
0x88: {  	s2 =	sld [smem:$0x3FD9]  }
0x89: {  	s3 =	sld [smem:$0x3FFE];
	_ =	sdelay $0x1  }
0x8a: {  	s1 =	srdreg.scid  }
0x8b: {  	s0 =	sand.u32 $0x1, s1  }
0x8c: {  	s17 =	sshll.u32 s0, $0xA;
	s2 =	sadd.s32 s3, s2  }
0x8d: {  	s2 =	sadd.s32 s2, s17  }
0x8e: {  	[smem:$0x3FC0] =	sst s2  }
0x8f: {  	_ = 	snop  }
0x90: {  	s2 =	sld [smem:$0x3FD0];
	(tm) =	ssettm $0x1  }
0x91: {  	s18 =	sld [smem:$0x3FFB];
	_ =	sdelay $0x3  }
0x92: {  	_ =	strace s18  }
0x93: {  	s3 =	sld [smem:$0x3FFC];
	_ =	sdelay $0x3  }
0x94: {  	_ =	strace s3  }
0x95: {  	s3 =	sld [smem:$0x3FFD];
	_ =	sdelay $0x3  }
0x96: {  	_ =	strace s3  }
0x97: {  	_ =	strace $0x8FFFFFFF  }
0x98: {  	s19 =	sld [smem:$0x3FDB];
	_ =	sdelay $0x1  }
0x99: {  	s4 =	simm.s32 $_scs_section_size  }
0x9a: {  	s5 =	simm.s32 $_size__tile_overlayer_lowered;
	s6 =	simm.s32 $_tile_overlayer_lowered  }
0x9b: {  	s22 =	simm.s32 $0x1BFF;
	s21 =	sshll.u32 s6, $0x1;
	s3 =	sadd.s32 s4, s19  }
0x9c: {  	s7 =	simm.s32 $0x0;
	s20 =	sshll.u32 s5, $0x1;
	s5 =	sadd.s32 s21, s3  }
0x9d: {  	[timem:s7], [sflag:s22] =	dma.local [hbm:s5], s20  }
0x9e: {  	_ =	swait.ge [sflag:s22], s20  }
0x9f: {  	s4 =	ssub.s32 $0x0, s20;
	[sflag:s22] =	ssyncset.done $0x0  }
0xa0: {  	[sflag:s22] =	ssyncadd.s32 s4;
	_ =	sdelay $0x1  }
0xa1: {  	s23 =	simm.s32 $0x1B8B  }
0xa2: {  	_ =	swait.ge [sflag:s23], $0x1  }
0xa3: {  	[sflag:s23] =	ssyncset.done $0x0  }
0xa4: {  	s25 =	simm.s32 $0x1B8E;
	s24 =	sld [smem:$0x3FFE];
	[sflag:s23] =	ssyncadd.s32 $0xFFFFFFFF  }
0xa5: {  	s26 =	simm.s32 $execute0_lowered;
	[smem:$0x3FD2] =	sst s25  }
0xa6: {  	s5 =	sshll.u32 s26, $0x1;
	_ =	strace $0x80000046;
	[dreg:$0x1] =	wrdreg $0xFFFFFFFF  }
0xa7: {  	s28 =	simm.s32 $_size_execute0_lowered;
	s3 =	sadd.s32 s3, s5;
	[dreg:$0x0] =	wrdreg $0x0  }
0xa8: {  	s5 =	sshll.u32 s28, $0x1;
	[dreg:$0x2] =	wrdreg s3  }
0xa9: {  	[dreg:$0x3] =	wrdreg s5  }
0xaa: {  	[dreg:$0x4] =	wrdreg $0xC0  }
0xab: {  	_ =	task [dreg:s7], $0x5FFFF  }
0xac: {  	[dreg:$0x1] =	wrdreg $0xFFFFFFFF  }
0xad: {  	[dreg:$0x0] =	wrdreg $0x60  }
0xae: {  	[dreg:$0x2] =	wrdreg s24  }
0xaf: {  	[dreg:$0x3] =	wrdreg s2  }
0xb0: {  	[dreg:$0x4] =	wrdreg $0x162000  }
0xb1: {  	[dreg:$0x5] =	wrdreg $0x164780  }
0xb2: {  	[dreg:$0x6] =	wrdreg $0x166F00  }
0xb3: {  	[dreg:$0x7] =	wrdreg $0x169680  }
0xb4: {  	[dreg:$0x8] =	wrdreg $0x9  }
0xb5: {  	_ =	task.clear_ibuf [dreg:s7], $0x9FFFF;
	_ =	strace $0x90000046  }
0xb6: {  	s29 =	simm.s32 $0x9;
	_ =	strace $0x80000048  }
0xb7: {  	_ =	swait.ge [sflag:s29], $0x1  }
0xb8: {  	[sflag:s29] =	ssyncadd.s32 $0xFFFFFFFF  }
0xb9: {  	_ =	strace $0x90000048  }
0xba: {  	_ =	sfence  }
0xbb: {  	s30 =	sld [smem:$0x0];
	_ =	sdelay $0x2  }
0xbc: {  	s31 =	sshll.u32 s1, $0xD;
	s1 =	sshrl.u32 s1, $0x2  }
0xbd: {  	s3 =	sand.u32 $0x4000, s31;
	s1 =	sadd.s32 s1, s30  }
0xbe: {  	s0 =	sor.u32 s3, s0;
	s1 =	sshll.u32 s1, $0x11  }
0xbf: {  	s0 =	sor.u32 s1, s0  }
0xc0: {  	s0 =	sadd.s32 $0x8F2B, s0  }
0xc1: {  	[sflag:s0] =	ssyncadd.remote.s32 $0x1  }
0xc2: {  	_ =	sfence.sel $0xFFFF  }
0xc3: {  	[dreg:$0x0] =	wrdreg $0xFFFFFFFF;
	(pc) =	sbr.abs _section_cstart, $3  }
0xc4: {  	[dreg:$0x1] =	wrdreg $0xFFFFFFFF  }
0xc5: {  	_ =	task.clear_ibuf [dreg:s7], $0x2FFFF;
	_ =	strace $0x9FFFFFFF  }
0xc6: {  	(tm) =	ssettm $0x7FFFFFFF  }
0xc7: {  	_ =	shalt  }
tec
execute0_lowered:
.L_overlay_start_1:
0x0: {  	(tag) =	ssettag $0x1  }
0x1: {  	s3 =	rddreg [dreg:$0x0]  }
0x2: {  	s8 =	rddreg [dreg:$0x1]  }
0x3: {  	s0 =	rddreg [dreg:$0x2]  }
0x4: {  	s2 =	rddreg [dreg:$0x3]  }
0x5: {  	s4 =	rddreg [dreg:$0x4]  }
0x6: {  	s1 =	srdreg.scid;
	s5 =	rddreg [dreg:$0x5]  }
0x7: {  	s16 =	simm.s32 $0x80;
	s17 =	simm.s32 $0x400;
	s18 =	simm.s32 $0x9C80  }
0x8: {  	s20 =	simm.s32 $0xC400;
	s21 =	simm.s32 $0xEB80;
	s22 =	simm.s32 $0x13A80  }
0x9: {  	s23 =	simm.s32 $0x2;
	s24 =	simm.s32 $0x1;
	s25 =	simm.s32 $0x2710  }
0xa: {  	s26 =	simm.s32 $0x11300;
	s28 =	simm.s32 $0x0;
	s9 =	sand.u32 $0x1, s1  }
0xb: {  	s1 =	stileid.u32;
	s19 =	smov.u32 s0;
	s6 =	sshll.u32 s9, $0x4  }
0xc: {  	s10 =	sshll.u32 s1, $0x7;
	s11 =	smul.u32 $0x13C0, s9;
	s6 =	sor.u32 s1, s6  }
0xd: {  	s9 =	ssub.s32 $0x2, s9;
	p0 =	sgt.u32 s1, $0x3;
	s7 =	sshrl.u32 s6, $0x3  }
0xe: {  	p1 =	sgt.s32 s1, $0x1;
	s10 =	sand.u32 $0x380, s10;
	s7 =	smul.u32 $0x13C00, s7  }
0xf: {  	s31 =	sshrl.u32 s9, $0x1;
	p2 =	seq.s32 @p1 s1, $0x2;
	p3 =	seq.s32 @!p1 s1, $0x0  }
0x10: {  	p4 =	sgt.s32 @!p0 s1, $0x1;
	s6 =	simm.s32 $0x0;
	s10 =	sor.u32 s10, s7  }
0x11: {  	s15 =	ssub.s32 s9, s31;
	p2 =	por !p2, !p1;
	s10 =	sshrl.u32 s10, $0x3  }
0x12: {  	p3 =	por !p3, p1;
	s7 =	sadd.s32 $0xB1600, s3;
	s12 =	sadd.s32 s10, s3  }
0x13: {  	s3 =	sadd.s32 s11, s3;
	s8 =	sadd.s32 s8, s10;
	s9 =	sadd.s32 $0x9DA00, s12  }
0x14: {  	s10 =	sadd.s32 $0xA7800, s12;
	s11 =	sadd.s32 $0xB2A30, s3;
	s12 =	sadd.s32 $0xB2A20, s3  }
0x15: {  	s13 =	sadd.s32 $0xB2A10, s3;
	s14 =	sadd.s32 $0xB2A00, s3;
	s3 =	smov.u32 s4  }
0x16: {  	[smem:$0x7FF] =	sst s6;
	s19 =	smov.u32 @p3 s2;
	s3 =	smov.u32 @p2 s5  }
0x17: {  	s15 =	smax.u32 s15, $0x1;
	s19 =	smov.u32 @p1 s3;
	p1 =	por !p4, p0  }
0x18: {  	_ =	strace $0x80000047;
	p2 =	seq.s32 @!p1 s1, $0x2;
	p1 =	por p4, p0  }
0x19: {  	p3 =	por @!p0 !p2, !p4;
	p5 =	seq.s32 @!p1 s1, $0x0;
	p2 =	por @!p0 p2, !p4  }
0x1a: {  	p1 =	por p3, p0;
	p3 =	por @!p0 !p5, p4;
	p4 =	por @!p0 p5, p4  }
0x1b: {  	v0 =	vimm.f32 $0.0e+00;
	p2 =	por p2, p0;
	p3 =	por p3, p0;
	p4 =	por p4, p0  }
.LBB2_1:
0x1c: {  	[tilespmem:s6], [sflag:$0x1] =	stream.linear.gather [hbm4b:s7+s6], $0x9C80, $0x38;
	[tilespmem:$0x16BE0] =	vst v63  }
0x1d: {  	_ = 	snop  }
0x1e: {  	[tilespmem:s18], [sflag:$0x1] =	stream.strided.gather [hbm4b:s8+s16], $0x2780, s17, s16, $0x38;
	[tilespmem:$0x16BE0] =	vst v63  }
.Ltmp0:
0x1f: {  	_ = 	snop;
	(pc) =	sbr.rel @p0 .LBB2_5-.Ltmp0, $4  }
0x20: {  	_ = 	snop  }
0x21: {  	[tilespmem:s20], [sflag:$0x1] =	stream.strided.gather [hbm4b:s9+s16], $0x2780, s17, s16, $0x38;
	[tilespmem:$0x16BE0] =	vst v63  }
0x22: {  	_ = 	snop  }
0x23: {  	[tilespmem:s21], [sflag:$0x1] =	stream.strided.gather [hbm4b:s10+s16], $0x2780, s17, s16, $0x38;
	[tilespmem:$0x16BE0] =	vst v63  }
0x24: {  	s3 =	simm.s32 $0x13AA0  }
0x25: {  	[tilespmem:s3+$0xFFFFFFE0] =	vst v0  }
0x26: {  	[tilespmem:s3+$0x10] =	vst v0  }
0x27: {  	s29 =	simm.s32 $0x0;
	[tilespmem:s3+$0x0] =	vst v0  }
.LBB2_3:
0x28: {  	s29 =	sadd.s32 $0x40, s29  }
0x29: {  	[tilespmem:s3+$0xFFFFFFF0] =	vst v0;
	s3 =	sadd.s32 $0x40, s3;
	p5 =	slt.u32 s29, $0x26C0  }
.Ltmp1:
0x2a: {  	[tilespmem:s3+$0xFFFFFFE0] =	vst v0;
	(pc) =	sbr.rel @p5 .LBB2_3-.Ltmp1, $3  }
0x2b: {  	_ =	sdelay $0x1  }
0x2c: {  	[tilespmem:s3+$0x10] =	vst v0  }
0x2d: {  	[tilespmem:s3+$0x0] =	vst v0  }
0x2e: {  	[tilespmem:s3+$0xFFFFFFF0] =	vst v0  }
0x2f: {  	[tilespmem:$0x16180] =	vst v0  }
0x30: {  	[spmem:s19] =	stream.linear.scatter [tilespmem:s22], [sflag:$0x2], $0x2780, $0x38;
	[tilespmem:$0x16BE0] =	vst v63  }
0x31: {  	_ =	swait.ge [sflag:s23], $0x2780  }
0x32: {  	[sflag:s23] =	ssyncset.done $0x0  }
0x33: {  	[sflag:s23] =	ssyncadd.s32 $0xFFFFD880  }
.LBB2_5:
0x34: {  	_ =	swait.ge [sflag:s24], $0x9C80  }
0x35: {  	[sflag:s24] =	ssyncset.done $0x0  }
0x36: {  	[sflag:s24] =	ssyncadd.s32 $0xFFFF6380  }
0x37: {  	_ =	swait.ge [sflag:s24], $0x2780  }
0x38: {  	[sflag:s24] =	ssyncset.done $0x0  }
0x39: {  	[sflag:s24] =	ssyncadd.s32 $0xFFFFD880  }
0x3a: {  	_ =	swait.ge [sflag:s24], $0x2780  }
0x3b: {  	[sflag:s24] =	ssyncset.done $0x0  }
0x3c: {  	[sflag:s24] =	ssyncadd.s32 $0xFFFFD880  }
0x3d: {  	_ =	swait.ge [sflag:s24], $0x2780  }
0x3e: {  	[sflag:s24] =	ssyncset.done $0x0  }
0x3f: {  	[sflag:s24] =	ssyncadd.s32 $0xFFFFD880  }
0x40: {  	s3 =	simm.s32 $0x9CA0;
	[bflag:$0x0] =	sbarrier.arrive $0xFFFF  }
0x41: {  	v1 =	vld [tilespmem:s3+$0x10]  }
0x42: {  	v2 =	vld [tilespmem:s3+$0xFFFFFFF0]  }
0x43: {  	v3 =	vld [tilespmem:s3+$0xFFFFFFE0]  }
0x44: {  	s1 =	simm.s32 $0xEBA0;
	v4 =	vld [tilespmem:s3+$0x0]  }
0x45: {  	s29 =	simm.s32 $0x9CE0;
	v7 =	vld [tilespmem:s1+$0x10]  }
0x46: {  	v5 =	vld [tilespmem:s29+$0x10]  }
0x47: {  	v10 =	vld [tilespmem:s29+$0xFFFFFFF0]  }
0x48: {  	v11 =	vld [tilespmem:s29+$0xFFFFFFE0]  }
0x49: {  	v12 =	vld [tilespmem:s1+$0xFFFFFFE0]  }
0x4a: {  	v13 =	vld [tilespmem:s1+$0xFFFFFFF0]  }
0x4b: {  	v6 =	vld [tilespmem:s1+$0x0]  }
0x4c: {  	v1 =	vld.idx.msk [tilespmem:v1+s6+$0x0], $0xffff  }
0x4d: {  	v9 =	vld.idx.msk [tilespmem:v2+s6+$0x0], $0xffff  }
0x4e: {  	v8 =	vld.idx.msk [tilespmem:v3+s6+$0x0], $0xffff  }
0x4f: {  	v2 =	vld [tilespmem:s29+$0x0]  }
0x50: {  	v3 =	vld.idx.msk [tilespmem:v4+s6+$0x0], $0xffff  }
0x51: {  	s30 =	simm.s32 $0xEBE0;
	v5 =	vld.idx.msk [tilespmem:v5+s6+$0x0], $0xffff  }
0x52: {  	v1 =	vmul.f32 v7, v1;
	v7 =	vld [tilespmem:s30+$0x10]  }
0x53: {  	s29 =	simm.s32 $0x11320;
	v4 =	vld.idx.msk [tilespmem:v10+s6+$0x0], $0xffff;
	v8 =	vmul.f32 v12, v8  }
0x54: {  	s31 =	simm.s32 $0x40;
	s3 =	simm.s32 $0x9D20;
	v9 =	vmul.f32 v13, v9;
	[tilespmem:s29+$0x10] =	vst v1;
	v1 =	vld.idx.msk [tilespmem:v11+s6+$0x0], $0xffff  }
.LBB2_6:
0x55: {  	v10 =	vld [tilespmem:s3+$0x10];
	s31 =	sadd.s32 $0x40, s31;
	[tilespmem:s29+$0xFFFFFFE0] =	vst v8;
	v3 =	vmul.f32 v6, v3  }
0x56: {  	v8 =	vld [tilespmem:s3+$0xFFFFFFF0];
	p5 =	slt.u32 s31, $0x26C0;
	[tilespmem:s29+$0xFFFFFFF0] =	vst v9  }
0x57: {  	v9 =	vld [tilespmem:s3+$0x0];
	v5 =	vmul.f32 v7, v5;
	[tilespmem:s29+$0x0] =	vst v3  }
0x58: {  	s29 =	sadd.s32 $0x40, s29;
	v11 =	vld [tilespmem:s3+$0xFFFFFFE0]  }
0x59: {  	v12 =	vmov v4;
	v3 =	vld.idx.msk [tilespmem:v2+s6+$0x0], $0xffff;
	[tilespmem:s29+$0x10] =	vst v5  }
0x5a: {  	v13 =	vld [tilespmem:s30+$0xFFFFFFE0]  }
0x5b: {  	v14 =	vld [tilespmem:s30+$0xFFFFFFF0]  }
.Ltmp2:
0x5c: {  	v6 =	vld [tilespmem:s30+$0x0];
	v2 =	vmov v9;
	(pc) =	sbr.rel @p5 .LBB2_6-.Ltmp2, $4  }
0x5d: {  	s30 =	sadd.s32 $0x40, s30;
	v5 =	vld.idx.msk [tilespmem:v10+s6+$0x0], $0xffff  }
0x5e: {  	v7 =	vld [tilespmem:s30+$0x10]  }
0x5f: {  	v4 =	vld.idx.msk [tilespmem:v8+s6+$0x0], $0xffff;
	v8 =	vmul.f32 v13, v1  }
0x60: {  	s3 =	sadd.s32 $0x40, s3;
	v1 =	vld.idx.msk [tilespmem:v11+s6+$0x0], $0xffff;
	v9 =	vmul.f32 v14, v12  }
0x61: {  	_ =	sdelay $0x3  }
0x62: {  	v2 =	vld.idx.msk [tilespmem:v2+s6+$0x0], $0xffff  }
0x63: {  	v10 =	vld [tilespmem:s30+$0xFFFFFFE0]  }
0x64: {  	v11 =	vld [tilespmem:s30+$0xFFFFFFF0]  }
0x65: {  	v12 =	vld [tilespmem:s30+$0x0]  }
0x66: {  	[tilespmem:s29+$0xFFFFFFE0] =	vst v8;
	v3 =	vmul.f32 v6, v3  }
0x67: {  	[tilespmem:s29+$0xFFFFFFF0] =	vst v9;
	v5 =	vmul.f32 v7, v5  }
0x68: {  	s3 =	sadd.s32 $0x40, s29;
	[tilespmem:s29+$0x0] =	vst v3;
	v1 =	vmul.f32 v10, v1  }
0x69: {  	[tilespmem:s3+$0x10] =	vst v5;
	v3 =	vmul.f32 v11, v4  }
0x6a: {  	[tilespmem:s3+$0xFFFFFFE0] =	vst v1;
	v1 =	vmul.f32 v12, v2  }
0x6b: {  	[tilespmem:s3+$0xFFFFFFF0] =	vst v3  }
0x6c: {  	[tilespmem:s3+$0x0] =	vst v1  }
0x6d: {  	v1 =	vld [tilespmem:$0xC380];
	_ =	sdelay $0x6  }
0x6e: {  	v2 =	vld [tilespmem:$0x11280]  }
0x6f: {  	v1 =	vld.idx.msk [tilespmem:v1+s6+$0x0], $0xffff;
	_ =	sdelay $0x4  }
0x70: {  	v1 =	vmul.f32 v2, v1;
	_ =	sdelay $0x1  }
0x71: {  	s1 =	simm.s32 $0x9CA0;
	[tilespmem:$0x13A00] =	vst v1  }
0x72: {  	[spmem:s0] =	stream.indirect.scatter.add.f32 [tilespmem:s26], [sflag:$0x1], $0x1, s20, s25, $0xb8;
	[tilespmem:$0x16BE0] =	vst v63  }
0x73: {  	v1 =	vld [tilespmem:s1+$0x10];
	_ =	sdelay $0x2  }
0x74: {  	v2 =	vld [tilespmem:s1+$0xFFFFFFE0]  }
0x75: {  	v3 =	vld [tilespmem:s1+$0xFFFFFFF0]  }
0x76: {  	s29 =	simm.s32 $0x9CE0;
	v4 =	vld [tilespmem:s1+$0x0];
	v1 =	vadd.s32 $0x2710, v1  }
0x77: {  	v7 =	vld [tilespmem:s29+$0x10]  }
0x78: {  	v10 =	vld [tilespmem:s29+$0xFFFFFFF0]  }
0x79: {  	v11 =	vld [tilespmem:s29+$0x0]  }
0x7a: {  	v63 =	vld [tilespmem:s29+$0xFFFFFFE0]  }
0x7b: {  	s1 =	simm.s32 $0xEBA0;
	v5 =	vld.idx.msk [tilespmem:v1+s6+$0x0], $0xffff;
	v1 =	vadd.s32 $0x2710, v2  }
0x7c: {  	v6 =	vld [tilespmem:s1+$0x10];
	v3 =	vadd.s32 $0x2710, v3  }
0x7d: {  	v9 =	vld [tilespmem:s1+$0xFFFFFFE0];
	v4 =	vadd.s32 $0x2710, v4  }
0x7e: {  	v8 =	vld [tilespmem:s1+$0xFFFFFFF0];
	v13 =	vadd.s32 $0x2710, v7  }
0x7f: {  	v7 =	vld [tilespmem:s1+$0x0]  }
0x80: {  	v2 =	vld.idx.msk [tilespmem:v1+s6+$0x0], $0xffff  }
0x81: {  	v3 =	vld.idx.msk [tilespmem:v3+s6+$0x0], $0xffff  }
0x82: {  	v1 =	vld.idx.msk [tilespmem:v4+s6+$0x0], $0xffff;
	v5 =	vmul.f32 v6, v5  }
0x83: {  	s30 =	simm.s32 $0xEBE0;
	s29 =	simm.s32 $0x13AA0;
	v6 =	vld.idx.msk [tilespmem:v13+s6+$0x0], $0xffff  }
0x84: {  	s31 =	simm.s32 $0x40;
	s3 =	simm.s32 $0x9D20;
	v4 =	vadd.s32 $0x2710, v10;
	v10 =	vld [tilespmem:s30+$0x10];
	[tilespmem:s29+$0x10] =	vst v5;
	v5 =	vadd.s32 $0x2710, v11;
	v11 =	vadd.s32 $0x2710, v63  }
.LBB2_8:
0x85: {  	v12 =	vld [tilespmem:s3+$0x10];
	s31 =	sadd.s32 $0x40, s31;
	v2 =	vmul.f32 v9, v2  }
0x86: {  	v9 =	vld [tilespmem:s3+$0xFFFFFFF0];
	p5 =	slt.u32 s31, $0x26C0;
	v3 =	vmul.f32 v8, v3  }
0x87: {  	v8 =	vld [tilespmem:s3+$0x0];
	[tilespmem:s29+$0xFFFFFFE0] =	vst v2;
	v1 =	vmul.f32 v7, v1  }
0x88: {  	v7 =	vld [tilespmem:s3+$0xFFFFFFE0];
	[tilespmem:s29+$0xFFFFFFF0] =	vst v3  }
0x89: {  	v2 =	vld.idx.msk [tilespmem:v11+s6+$0x0], $0xffff;
	v6 =	vmul.f32 v10, v6;
	[tilespmem:s29+$0x0] =	vst v1  }
0x8a: {  	s29 =	sadd.s32 $0x40, s29;
	v10 =	vadd.s32 $0x2710, v12;
	v3 =	vld.idx.msk [tilespmem:v4+s6+$0x0], $0xffff  }
0x8b: {  	v4 =	vadd.s32 $0x2710, v9;
	v1 =	vld.idx.msk [tilespmem:v5+s6+$0x0], $0xffff;
	[tilespmem:s29+$0x10] =	vst v6  }
.Ltmp3:
0x8c: {  	v5 =	vadd.s32 $0x2710, v8;
	v9 =	vld [tilespmem:s30+$0xFFFFFFE0];
	(pc) =	sbr.rel @p5 .LBB2_8-.Ltmp3, $4  }
0x8d: {  	v11 =	vadd.s32 $0x2710, v7;
	v8 =	vld [tilespmem:s30+$0xFFFFFFF0]  }
0x8e: {  	v7 =	vld [tilespmem:s30+$0x0]  }
0x8f: {  	s30 =	sadd.s32 $0x40, s30;
	v6 =	vld.idx.msk [tilespmem:v10+s6+$0x0], $0xffff  }
0x90: {  	s3 =	sadd.s32 $0x40, s3;
	v10 =	vld [tilespmem:s30+$0x10]  }
0x91: {  	_ =	sdelay $0x3  }
0x92: {  	v11 =	vld.idx.msk [tilespmem:v11+s6+$0x0], $0xffff  }
0x93: {  	v4 =	vld.idx.msk [tilespmem:v4+s6+$0x0], $0xffff  }
0x94: {  	v5 =	vld.idx.msk [tilespmem:v5+s6+$0x0], $0xffff  }
0x95: {  	v12 =	vld [tilespmem:s30+$0xFFFFFFE0]  }
0x96: {  	v2 =	vmul.f32 v9, v2;
	v9 =	vld [tilespmem:s30+$0xFFFFFFF0]  }
0x97: {  	v3 =	vmul.f32 v8, v3;
	v8 =	vld [tilespmem:s30+$0x0]  }
0x98: {  	[tilespmem:s29+$0xFFFFFFE0] =	vst v2;
	v1 =	vmul.f32 v7, v1  }
0x99: {  	[tilespmem:s29+$0xFFFFFFF0] =	vst v3;
	v2 =	vmul.f32 v10, v6  }
0x9a: {  	s3 =	sadd.s32 $0x40, s29;
	[tilespmem:s29+$0x0] =	vst v1;
	v1 =	vmul.f32 v12, v11  }
0x9b: {  	[tilespmem:s3+$0x10] =	vst v2;
	v2 =	vmul.f32 v9, v4  }
0x9c: {  	[tilespmem:s3+$0xFFFFFFE0] =	vst v1;
	v1 =	vmul.f32 v8, v5  }
0x9d: {  	[tilespmem:s3+$0xFFFFFFF0] =	vst v2  }
0x9e: {  	[tilespmem:s3+$0x0] =	vst v1  }
0x9f: {  	v1 =	vld [tilespmem:$0xC380];
	_ =	sdelay $0x4  }
0xa0: {  	v1 =	vadd.s32 $0x2710, v1;
	_ =	sdelay $0x3  }
0xa1: {  	v2 =	vld [tilespmem:$0x11280]  }
0xa2: {  	v1 =	vld.idx.msk [tilespmem:v1+s6+$0x0], $0xffff;
	_ =	sdelay $0x4  }
0xa3: {  	v1 =	vmul.f32 v2, v1;
	_ =	sdelay $0x1  }
0xa4: {  	[tilespmem:$0x16180] =	vst v1  }
0xa5: {  	[spmem:s2] =	stream.indirect.scatter.add.f32 [tilespmem:s22], [sflag:$0x1], $0x1, s20, s25, $0xb8;
	[tilespmem:$0x16BE0] =	vst v63  }
0xa6: {  	_ =	swait.ge [sflag:s24], $0x2710  }
0xa7: {  	[sflag:s24] =	ssyncset.done $0x0  }
0xa8: {  	s1 =	simm.s32 $0x9CA0;
	[sflag:s24] =	ssyncadd.s32 $0xFFFFD8F0  }
0xa9: {  	v1 =	vld [tilespmem:s1+$0x10];
	_ =	sdelay $0x2  }
0xaa: {  	v2 =	vld [tilespmem:s1+$0xFFFFFFE0]  }
0xab: {  	v3 =	vld [tilespmem:s1+$0xFFFFFFF0]  }
0xac: {  	s29 =	simm.s32 $0x9CE0;
	v4 =	vld [tilespmem:s1+$0x0];
	v1 =	vadd.s32 $0x4E20, v1  }
0xad: {  	v7 =	vld [tilespmem:s29+$0x10]  }
0xae: {  	v10 =	vld [tilespmem:s29+$0xFFFFFFF0]  }
0xaf: {  	v11 =	vld [tilespmem:s29+$0x0]  }
0xb0: {  	v63 =	vld [tilespmem:s29+$0xFFFFFFE0]  }
0xb1: {  	s1 =	simm.s32 $0xEBA0;
	v5 =	vld.idx.msk [tilespmem:v1+s6+$0x0], $0xffff;
	v1 =	vadd.s32 $0x4E20, v2  }
0xb2: {  	v6 =	vld [tilespmem:s1+$0x10];
	v3 =	vadd.s32 $0x4E20, v3  }
0xb3: {  	v9 =	vld [tilespmem:s1+$0xFFFFFFE0];
	v4 =	vadd.s32 $0x4E20, v4  }
0xb4: {  	v8 =	vld [tilespmem:s1+$0xFFFFFFF0];
	v13 =	vadd.s32 $0x4E20, v7  }
0xb5: {  	v7 =	vld [tilespmem:s1+$0x0]  }
0xb6: {  	v2 =	vld.idx.msk [tilespmem:v1+s6+$0x0], $0xffff  }
0xb7: {  	v3 =	vld.idx.msk [tilespmem:v3+s6+$0x0], $0xffff  }
0xb8: {  	v1 =	vld.idx.msk [tilespmem:v4+s6+$0x0], $0xffff;
	v5 =	vmul.f32 v6, v5  }
0xb9: {  	s30 =	simm.s32 $0xEBE0;
	s29 =	simm.s32 $0x11320;
	v6 =	vld.idx.msk [tilespmem:v13+s6+$0x0], $0xffff  }
0xba: {  	s31 =	simm.s32 $0x40;
	s3 =	simm.s32 $0x9D20;
	v4 =	vadd.s32 $0x4E20, v10;
	v10 =	vld [tilespmem:s30+$0x10];
	[tilespmem:s29+$0x10] =	vst v5;
	v5 =	vadd.s32 $0x4E20, v11;
	v11 =	vadd.s32 $0x4E20, v63  }
.LBB2_10:
0xbb: {  	v12 =	vld [tilespmem:s3+$0x10];
	s31 =	sadd.s32 $0x40, s31;
	v2 =	vmul.f32 v9, v2  }
0xbc: {  	v9 =	vld [tilespmem:s3+$0xFFFFFFF0];
	p5 =	slt.u32 s31, $0x26C0;
	v3 =	vmul.f32 v8, v3  }
0xbd: {  	v8 =	vld [tilespmem:s3+$0x0];
	[tilespmem:s29+$0xFFFFFFE0] =	vst v2;
	v1 =	vmul.f32 v7, v1  }
0xbe: {  	v7 =	vld [tilespmem:s3+$0xFFFFFFE0];
	[tilespmem:s29+$0xFFFFFFF0] =	vst v3  }
0xbf: {  	v2 =	vld.idx.msk [tilespmem:v11+s6+$0x0], $0xffff;
	v6 =	vmul.f32 v10, v6;
	[tilespmem:s29+$0x0] =	vst v1  }
0xc0: {  	s29 =	sadd.s32 $0x40, s29;
	v10 =	vadd.s32 $0x4E20, v12;
	v3 =	vld.idx.msk [tilespmem:v4+s6+$0x0], $0xffff  }
0xc1: {  	v4 =	vadd.s32 $0x4E20, v9;
	v1 =	vld.idx.msk [tilespmem:v5+s6+$0x0], $0xffff;
	[tilespmem:s29+$0x10] =	vst v6  }
.Ltmp4:
0xc2: {  	v5 =	vadd.s32 $0x4E20, v8;
	v9 =	vld [tilespmem:s30+$0xFFFFFFE0];
	(pc) =	sbr.rel @p5 .LBB2_10-.Ltmp4, $4  }
0xc3: {  	v11 =	vadd.s32 $0x4E20, v7;
	v8 =	vld [tilespmem:s30+$0xFFFFFFF0]  }
0xc4: {  	v7 =	vld [tilespmem:s30+$0x0]  }
0xc5: {  	s30 =	sadd.s32 $0x40, s30;
	v6 =	vld.idx.msk [tilespmem:v10+s6+$0x0], $0xffff  }
0xc6: {  	s3 =	sadd.s32 $0x40, s3;
	v10 =	vld [tilespmem:s30+$0x10]  }
0xc7: {  	_ =	sdelay $0x3  }
0xc8: {  	v11 =	vld.idx.msk [tilespmem:v11+s6+$0x0], $0xffff  }
0xc9: {  	v4 =	vld.idx.msk [tilespmem:v4+s6+$0x0], $0xffff  }
0xca: {  	v5 =	vld.idx.msk [tilespmem:v5+s6+$0x0], $0xffff  }
0xcb: {  	v12 =	vld [tilespmem:s30+$0xFFFFFFE0]  }
0xcc: {  	v2 =	vmul.f32 v9, v2;
	v9 =	vld [tilespmem:s30+$0xFFFFFFF0]  }
0xcd: {  	v3 =	vmul.f32 v8, v3;
	v8 =	vld [tilespmem:s30+$0x0]  }
0xce: {  	[tilespmem:s29+$0xFFFFFFE0] =	vst v2;
	v1 =	vmul.f32 v7, v1  }
0xcf: {  	[tilespmem:s29+$0xFFFFFFF0] =	vst v3;
	v2 =	vmul.f32 v10, v6  }
0xd0: {  	s3 =	sadd.s32 $0x40, s29;
	[tilespmem:s29+$0x0] =	vst v1;
	v1 =	vmul.f32 v12, v11  }
0xd1: {  	[tilespmem:s3+$0x10] =	vst v2;
	v2 =	vmul.f32 v9, v4  }
0xd2: {  	[tilespmem:s3+$0xFFFFFFE0] =	vst v1;
	v1 =	vmul.f32 v8, v5  }
0xd3: {  	[tilespmem:s3+$0xFFFFFFF0] =	vst v2  }
0xd4: {  	[tilespmem:s3+$0x0] =	vst v1  }
0xd5: {  	v1 =	vld [tilespmem:$0xC380];
	_ =	sdelay $0x4  }
0xd6: {  	v1 =	vadd.s32 $0x4E20, v1;
	_ =	sdelay $0x3  }
0xd7: {  	v2 =	vld [tilespmem:$0x11280]  }
0xd8: {  	v1 =	vld.idx.msk [tilespmem:v1+s6+$0x0], $0xffff;
	_ =	sdelay $0x4  }
0xd9: {  	v1 =	vmul.f32 v2, v1;
	_ =	sdelay $0x1  }
0xda: {  	[tilespmem:$0x13A00] =	vst v1  }
0xdb: {  	[spmem:s4] =	stream.indirect.scatter.add.f32 [tilespmem:s26], [sflag:$0x1], $0x1, s20, s25, $0xb8;
	[tilespmem:$0x16BE0] =	vst v63  }
0xdc: {  	_ =	swait.ge [sflag:s24], $0x2710  }
0xdd: {  	[sflag:s24] =	ssyncset.done $0x0  }
0xde: {  	s1 =	simm.s32 $0x9CA0;
	[sflag:s24] =	ssyncadd.s32 $0xFFFFD8F0  }
0xdf: {  	v1 =	vld [tilespmem:s1+$0x10];
	_ =	sdelay $0x2  }
0xe0: {  	v2 =	vld [tilespmem:s1+$0xFFFFFFE0]  }
0xe1: {  	v3 =	vld [tilespmem:s1+$0xFFFFFFF0]  }
0xe2: {  	s29 =	simm.s32 $0x9CE0;
	v4 =	vld [tilespmem:s1+$0x0];
	v1 =	vadd.s32 $0x7530, v1  }
0xe3: {  	v7 =	vld [tilespmem:s29+$0x10]  }
0xe4: {  	v10 =	vld [tilespmem:s29+$0xFFFFFFF0]  }
0xe5: {  	v11 =	vld [tilespmem:s29+$0x0]  }
0xe6: {  	v63 =	vld [tilespmem:s29+$0xFFFFFFE0]  }
0xe7: {  	s1 =	simm.s32 $0xEBA0;
	v5 =	vld.idx.msk [tilespmem:v1+s6+$0x0], $0xffff;
	v1 =	vadd.s32 $0x7530, v2  }
0xe8: {  	v6 =	vld [tilespmem:s1+$0x10];
	v3 =	vadd.s32 $0x7530, v3  }
0xe9: {  	v9 =	vld [tilespmem:s1+$0xFFFFFFE0];
	v4 =	vadd.s32 $0x7530, v4  }
0xea: {  	v8 =	vld [tilespmem:s1+$0xFFFFFFF0];
	v13 =	vadd.s32 $0x7530, v7  }
0xeb: {  	v7 =	vld [tilespmem:s1+$0x0]  }
0xec: {  	v2 =	vld.idx.msk [tilespmem:v1+s6+$0x0], $0xffff  }
0xed: {  	v3 =	vld.idx.msk [tilespmem:v3+s6+$0x0], $0xffff  }
0xee: {  	v1 =	vld.idx.msk [tilespmem:v4+s6+$0x0], $0xffff;
	v5 =	vmul.f32 v6, v5  }
0xef: {  	s30 =	simm.s32 $0xEBE0;
	s29 =	simm.s32 $0x13AA0;
	v6 =	vld.idx.msk [tilespmem:v13+s6+$0x0], $0xffff  }
0xf0: {  	s31 =	simm.s32 $0x40;
	s3 =	simm.s32 $0x9D20;
	v4 =	vadd.s32 $0x7530, v10;
	v10 =	vld [tilespmem:s30+$0x10];
	[tilespmem:s29+$0x10] =	vst v5;
	v5 =	vadd.s32 $0x7530, v11;
	v11 =	vadd.s32 $0x7530, v63  }
.LBB2_12:
0xf1: {  	v12 =	vld [tilespmem:s3+$0x10];
	s31 =	sadd.s32 $0x40, s31;
	v2 =	vmul.f32 v9, v2  }
0xf2: {  	v9 =	vld [tilespmem:s3+$0xFFFFFFF0];
	p5 =	slt.u32 s31, $0x26C0;
	v3 =	vmul.f32 v8, v3  }
0xf3: {  	v8 =	vld [tilespmem:s3+$0x0];
	[tilespmem:s29+$0xFFFFFFE0] =	vst v2;
	v1 =	vmul.f32 v7, v1  }
0xf4: {  	v7 =	vld [tilespmem:s3+$0xFFFFFFE0];
	[tilespmem:s29+$0xFFFFFFF0] =	vst v3  }
0xf5: {  	v2 =	vld.idx.msk [tilespmem:v11+s6+$0x0], $0xffff;
	v6 =	vmul.f32 v10, v6;
	[tilespmem:s29+$0x0] =	vst v1  }
0xf6: {  	s29 =	sadd.s32 $0x40, s29;
	v10 =	vadd.s32 $0x7530, v12;
	v3 =	vld.idx.msk [tilespmem:v4+s6+$0x0], $0xffff  }
0xf7: {  	v4 =	vadd.s32 $0x7530, v9;
	v1 =	vld.idx.msk [tilespmem:v5+s6+$0x0], $0xffff;
	[tilespmem:s29+$0x10] =	vst v6  }
.Ltmp5:
0xf8: {  	v5 =	vadd.s32 $0x7530, v8;
	v9 =	vld [tilespmem:s30+$0xFFFFFFE0];
	(pc) =	sbr.rel @p5 .LBB2_12-.Ltmp5, $4  }
0xf9: {  	v11 =	vadd.s32 $0x7530, v7;
	v8 =	vld [tilespmem:s30+$0xFFFFFFF0]  }
0xfa: {  	v7 =	vld [tilespmem:s30+$0x0]  }
0xfb: {  	s30 =	sadd.s32 $0x40, s30;
	v6 =	vld.idx.msk [tilespmem:v10+s6+$0x0], $0xffff  }
0xfc: {  	s3 =	sadd.s32 $0x40, s3;
	v10 =	vld [tilespmem:s30+$0x10]  }
0xfd: {  	_ =	sdelay $0x3  }
0xfe: {  	v11 =	vld.idx.msk [tilespmem:v11+s6+$0x0], $0xffff  }
0xff: {  	v4 =	vld.idx.msk [tilespmem:v4+s6+$0x0], $0xffff  }
0x100: {  	v5 =	vld.idx.msk [tilespmem:v5+s6+$0x0], $0xffff  }
0x101: {  	v12 =	vld [tilespmem:s30+$0xFFFFFFE0]  }
0x102: {  	v2 =	vmul.f32 v9, v2;
	v62 =	vld [tilespmem:s30+$0xFFFFFFF0]  }
0x103: {  	v63 =	vld [tilespmem:s30+$0x0];
	v3 =	vmul.f32 v8, v3  }
0x104: {  	[tilespmem:s29+$0xFFFFFFE0] =	vst v2;
	v1 =	vmul.f32 v7, v1  }
0x105: {  	[tilespmem:s29+$0xFFFFFFF0] =	vst v3;
	v2 =	vmul.f32 v10, v6  }
0x106: {  	s3 =	sadd.s32 $0x40, s29;
	[tilespmem:s29+$0x0] =	vst v1;
	v1 =	vmul.f32 v12, v11  }
0x107: {  	[tilespmem:s3+$0x10] =	vst v2;
	v2 =	vmul.f32 v62, v4  }
0x108: {  	[tilespmem:s3+$0xFFFFFFE0] =	vst v1;
	v1 =	vmul.f32 v63, v5  }
0x109: {  	[tilespmem:s3+$0xFFFFFFF0] =	vst v2  }
0x10a: {  	[tilespmem:s3+$0x0] =	vst v1  }
0x10b: {  	v1 =	vld [tilespmem:$0xC380];
	_ =	sdelay $0x4  }
0x10c: {  	v1 =	vadd.s32 $0x7530, v1;
	_ =	sdelay $0x3  }
0x10d: {  	v2 =	vld [tilespmem:$0x11280]  }
0x10e: {  	v1 =	vld.idx.msk [tilespmem:v1+s6+$0x0], $0xffff;
	_ =	sdelay $0x4  }
0x10f: {  	v1 =	vmul.f32 v2, v1;
	_ =	sdelay $0x1  }
0x110: {  	[tilespmem:$0x16180] =	vst v1  }
0x111: {  	[spmem:s5] =	stream.indirect.scatter.add.f32 [tilespmem:s22], [sflag:$0x1], $0x1, s20, s25, $0xb8;
	[tilespmem:$0x16BE0] =	vst v63  }
0x112: {  	_ =	swait.ge [sflag:s24], $0x2710  }
0x113: {  	[sflag:s24] =	ssyncset.done $0x0  }
0x114: {  	[sflag:s24] =	ssyncadd.s32 $0xFFFFD8F0  }
0x115: {  	_ =	swait.ge [sflag:s24], $0x2710  }
0x116: {  	s30 =	simm.s32 @!p1 $0x40;
	[sflag:s24] =	ssyncset.done $0x0  }
0x117: {  	s31 =	simm.s32 @!p1 $0x10;
	s1 =	simm.s32 @!p1 $0x1C82;
	[sflag:s24] =	ssyncadd.s32 $0xFFFFD8F0  }
0x118: {  	s29 =	simm.s32 @!p1 $0x1;
	s3 =	sshrl.u32 @!p1 s4, $0x3;
	[bflag:$0x0] =	sbarrier.arrive $0xFFFF  }
0x119: {  	[hbm:s12@s30], [sflag:s1] =	dma.strided @!p1 [spmem:s3@s31], $0x4F0, s29, $0x10   }
0x11a: {  	s1 =	sshrl.u32 @!p2 s5, $0x3;
	s3 =	simm.s32 @!p2 $0x1  }
0x11b: {  	s29 =	simm.s32 @!p2 $0x40;
	s30 =	simm.s32 @!p2 $0x10;
	s31 =	simm.s32 @!p2 $0x1CC2  }
0x11c: {  	[hbm:s11@s29], [sflag:s31] =	dma.strided @!p2 [spmem:s1@s30], $0x4F0, s3, $0x10   }
0x11d: {  	s28 =	sadd.s32 $0x1, s28;
	s1 =	sshrl.u32 @!p3 s0, $0x3;
	s3 =	simm.s32 @!p3 $0x1  }
0x11e: {  	s29 =	simm.s32 @!p3 $0x40;
	s30 =	simm.s32 @!p3 $0x10;
	s31 =	simm.s32 @!p3 $0x1C02  }
0x11f: {  	[hbm:s14@s29], [sflag:s31] =	dma.strided @!p3 [spmem:s1@s30], $0x4F0, s3, $0x10   }
0x120: {  	p5 =	sne.s32 s28, s15;
	s1 =	sshrl.u32 @!p4 s2, $0x3;
	s3 =	simm.s32 @!p4 $0x1  }
0x121: {  	s29 =	simm.s32 @!p4 $0x40;
	s30 =	simm.s32 @!p4 $0x10;
	s31 =	simm.s32 @!p4 $0x1C42  }
0x122: {  	[hbm:s13@s29], [sflag:s31] =	dma.strided @!p4 [spmem:s1@s30], $0x4F0, s3, $0x10   }
.Ltmp6:
0x123: {  	_ = 	snop;
	(pc) =	sbr.rel @p5 .LBB2_1-.Ltmp6, $4  }
0x124: {  	s1 =	simm.s32 @!p0 $0x2  }
0x125: {  	_ =	swait.ge @!p0 [sflag:s1], $0x4F0  }
0x126: {  	[sflag:s1] =	ssyncset.done @!p0 $0x0  }
0x127: {  	[sflag:s1] =	ssyncadd.s32 @!p0 $0xFFFFFB10  }
0x128: {  	_ =	sfence.sel $0x180000  }
0x129: {  	[bflag:$0x0] =	sbarrier.arrive $0xFFFF  }
0x12a: {  	_ =	strace $0x90000047  }
0x12b: {  	s0 =	stileid.u32;
	[bflag:$0x2] =	sbarrier.arrive $0xFFFF  }
0x12c: {  	p0 =	sne.s32 s0, $0x0;
	s0 =	rddreg [dreg:$0x6]  }
0x12d: {  	s0 =	sadd.s32 @!p0 $0x100000, s0  }
0x12e: {  	[sflag:s0] =	ssyncadd.tile.s32 @!p0 $0x1;
	_ =	shalt  }
.Lfunc_end2:
_tile_overlayer_lowered:
.L_overlay_start_2:
0x12f: {  	(tag) =	ssettag $0x2  }
0x130: {  	s0 =	rddreg [dreg:$0x0];
	s2 =	stileid.u32  }
0x131: {  	s1 =	rddreg [dreg:$0x1];
	p0 =	sne.s32 s2, $0x0  }
0x132: {  	s3 =	rddreg [dreg:$0x2];
	[bflag:$0x3] =	sbarrier.arrive $0xFFFF;
	s2 =	simm.s32 @!p0 $0x1C02  }
0x133: {  	[timem:s3], [sflag:s2] =	dma.local @!p0 [hbm:s0], s1  }
0x134: {  	s0 =	simm.s32 @!p0 $0x2  }
0x135: {  	_ =	swait.ge @!p0 [sflag:s0], s1  }
0x136: {  	s1 =	ssub.s32 @!p0 $0x0, s1;
	[sflag:s0] =	ssyncset.done @!p0 $0x0  }
0x137: {  	[sflag:s0] =	ssyncadd.s32 @!p0 s1  }
0x138: {  	[bflag:$0x3] =	sbarrier.arrive $0xFFFF  }
0x139: {  	_ =	shalt  }

</sc_bundles>
